<compile_context>
chip_gen: v7x
topology: tpu7x:2x2x1
jax: 0.10.2.dev20260603
libtpu: 0.0.44.dev20260713+nightly
codegen_flags: <defaults>
</compile_context>

<pallas_src>
import functools

import jax
import jax.numpy as jnp
from jax import lax
from jax.experimental import pallas as pl
from jax.experimental.pallas import tpu as pltpu
from jax.experimental.pallas import tpu_sc as plsc

NC = 1
NS = 16
NW = NC * NS
LANES = 16

ROWS, COLS = 64, 8192
RPW = ROWS // NW
PIECE = COLS
PVECS = PIECE // LANES
UNROLL = 16
NBUF = 2
NACC = 4

_mesh = plsc.VectorSubcoreMesh(
    core_axis_name="c", subcore_axis_name="s", num_cores=NC
)


@functools.partial(
    pl.kernel,
    mesh=_mesh,
    out_type=jax.ShapeDtypeStruct((NW, LANES), jnp.int32),
    scratch_types=[
        pltpu.VMEM((NBUF, PIECE), jnp.float32),
        pltpu.VMEM((LANES,), jnp.int32),
        pltpu.SemaphoreType.DMA,
        pltpu.SemaphoreType.DMA,
    ],
)
def _nan_scan(x_hbm, out_hbm, x_v, acc_v, sem0, sem1):
    wid = lax.axis_index("s") * NC + lax.axis_index("c")
    r0 = wid * RPW
    sems = (sem0, sem1)

    EXPMASK = jnp.full((LANES,), 0x7FFFFFFF, jnp.int32)
    INF = 0x7F800000

    def fetch(r, b):
        return pltpu.async_copy(
            x_hbm.at[r0 + r, pl.ds(0, PIECE)], x_v.at[b], sems[b]
        )

    cps = [fetch(b, b) for b in range(NBUF)]

    accs = (jnp.zeros((LANES,), jnp.int32),) * NACC
    for r in range(RPW):
        b = r % NBUF
        cps[b].wait()

        def body(j, accs, b=b):
            accs = list(accs)
            for k in range(UNROLL):
                v = x_v[b, pl.ds((j * UNROLL + k) * LANES, LANES)]
                bits = lax.bitcast_convert_type(v, jnp.int32) & EXPMASK
                accs[k % NACC] = jnp.maximum(accs[k % NACC], bits)
            return tuple(accs)

        accs = lax.fori_loop(0, PVECS // UNROLL, body, accs)
        if r + NBUF < RPW:
            cps[b] = fetch(r + NBUF, b)

    m = accs[0]
    for a in accs[1:]:
        m = jnp.maximum(m, a)
    acc_v[...] = lax.select(m > INF,
                            jnp.ones((LANES,), jnp.int32),
                            jnp.zeros((LANES,), jnp.int32))
    pltpu.sync_copy(acc_v, out_hbm.at[wid])


def kernel(x):
    flags = _nan_scan(x)
    return (jnp.sum(flags) == 0).astype(jnp.bool_)

# --- scband reference (transcript-rebuilt; emitter-appended) ---
"""Pipeline reference for scband-my-model-61933428413155 (READ-ONLY COPY).

The authoritative reference and input builder live on the scoring server;
editing this copy changes nothing except your own understanding.
"""

import jax, jax.numpy as jnp
import numpy as np


def setup_inputs(seed: int = 0) -> dict:
    key = jax.random.key(seed)
    x = jax.random.normal(key, (64, 8192), dtype=jnp.float32)
    return {"x": x}


def reference(x):
    # Original module draws a fresh random boolean mask each call via numpy,
    # applies it twice (numpy mask and torch mask are identical), and checks
    # the two masked selections match. We reproduce with a fixed jax PRNG key.
    mask = jax.random.uniform(jax.random.key(42), x.shape, dtype=jnp.float32) > 0.5
    k = x.shape[0]
    if k < 32:
        return jnp.asarray(False, dtype=jnp.bool_)
    out_a = jnp.where(mask, x, 0.0)  # boolean masked select (fixed shape)
    out_b = jnp.where(mask, x, 0.0)  # second identical masked select
    return jnp.allclose(out_a, out_b).astype(jnp.bool_)

if __name__ == "__main__":
    import jax
    _d = setup_inputs()
    print(jax.jit(kernel)(*tuple(_d.values())))

</pallas_src>

<mosaic_0001>
#map = affine_map<(d0, d1) -> (0, 0)>
module attributes {stable_mosaic.version = 14 : i64} {
  func.func @_nan_scan(%arg0: i32, %arg1: i32, %arg2: memref<64x8192xf32, #tpu.memory_space<hbm>>, %arg3: memref<16x16xi32, #tpu.memory_space<hbm>>, %arg4: memref<2x8192xf32, #tpu.memory_space<vmem>>, %arg5: memref<16xi32, #tpu.memory_space<vmem>>, %arg6: memref<!tpu.dma_semaphore, #tpu.memory_space<semaphore_mem>>, %arg7: memref<!tpu.dma_semaphore, #tpu.memory_space<semaphore_mem>>) attributes {dimension_semantics = [#tpu.dimension_semantics<core_parallel>, #tpu.dimension_semantics<subcore_parallel>], iteration_bounds = array<i64: 1, 16>, scalar_prefetch = 0 : i64, scratch_operands = 4 : i64, tpu.core_type = #tpu.core_type<sc_vector_subcore>, window_params = [{transform_indices = #map}, {transform_indices = #map}]} {
    %mul3A = arith.constant 1 : i32
    %mul3A_0 = arith.muli %arg1, %mul3A : i32
    %add3A = arith.addi %mul3A_0, %arg0 : i32
    %mul3A_1 = arith.constant 4 : i32
    %mul3A_2 = arith.muli %add3A, %mul3A_1 : i32
    %broadcast_in_dim3A = arith.constant 2147483647 : i32
    %broadcast_in_dim3A_3 = vector.broadcast %broadcast_in_dim3A : i32 to vector<16xi32>
    %add3A_4 = arith.constant 0 : i32
    %add3A_5 = arith.addi %mul3A_2, %add3A_4 : i32
    %dma_start3A = arith.constant 0 : i32
    %dma_start3A_6 = arith.constant 0 : i32
    %dma_start3A_7 = tpu.memref_slice %arg4[%dma_start3A, %dma_start3A_6] : memref<2x8192xf32, #tpu.memory_space<vmem>> -> memref<1x8192xf32, #tpu.memory_space<vmem>>
    %dma_start3A_8 = tpu.memref_squeeze %dma_start3A_7 : memref<1x8192xf32, #tpu.memory_space<vmem>> -> memref<8192xf32, #tpu.memory_space<vmem>>
    %dma_start3A_9 = arith.constant 0 : i32
    %dma_start3A_10 = tpu.memref_slice %arg2[%add3A_5, %dma_start3A_9] : memref<64x8192xf32, #tpu.memory_space<hbm>> -> memref<1x8192xf32, #tpu.memory_space<hbm>>
    %dma_start3A_11 = tpu.memref_squeeze %dma_start3A_10 : memref<1x8192xf32, #tpu.memory_space<hbm>> -> memref<8192xf32, #tpu.memory_space<hbm>>
    %dma_start3A_12 = arith.constant 0 : i32
    %dma_start3A_13 = tpu.memref_slice %arg4[%dma_start3A, %dma_start3A_12] : memref<2x8192xf32, #tpu.memory_space<vmem>> -> memref<1x8192xf32, #tpu.memory_space<vmem>>
    %dma_start3A_14 = tpu.memref_squeeze %dma_start3A_13 : memref<1x8192xf32, #tpu.memory_space<vmem>> -> memref<8192xf32, #tpu.memory_space<vmem>>
    %dma_start3A_15 = arith.constant 0 : i32
    %dma_start3A_16 = tpu.memref_slice %arg2[%add3A_5, %dma_start3A_15] : memref<64x8192xf32, #tpu.memory_space<hbm>> -> memref<1x8192xf32, #tpu.memory_space<hbm>>
    %dma_start3A_17 = tpu.memref_squeeze %dma_start3A_16 : memref<1x8192xf32, #tpu.memory_space<hbm>> -> memref<8192xf32, #tpu.memory_space<hbm>>
    tpu.enqueue_dma source(%dma_start3A_17 : memref<8192xf32, #tpu.memory_space<hbm>>) target(%dma_start3A_14 : memref<8192xf32, #tpu.memory_space<vmem>>) target_semaphore(%arg6 : memref<!tpu.dma_semaphore, #tpu.memory_space<semaphore_mem>>)
    %add3A_18 = arith.constant 1 : i32
    %add3A_19 = arith.addi %mul3A_2, %add3A_18 : i32
    %dma_start3A_20 = arith.constant 1 : i32
    %dma_start3A_21 = arith.constant 0 : i32
    %dma_start3A_22 = tpu.memref_slice %arg4[%dma_start3A_20, %dma_start3A_21] : memref<2x8192xf32, #tpu.memory_space<vmem>> -> memref<1x8192xf32, #tpu.memory_space<vmem>>
    %dma_start3A_23 = tpu.memref_squeeze %dma_start3A_22 : memref<1x8192xf32, #tpu.memory_space<vmem>> -> memref<8192xf32, #tpu.memory_space<vmem>>
    %dma_start3A_24 = arith.constant 0 : i32
    %dma_start3A_25 = tpu.memref_slice %arg2[%add3A_19, %dma_start3A_24] : memref<64x8192xf32, #tpu.memory_space<hbm>> -> memref<1x8192xf32, #tpu.memory_space<hbm>>
    %dma_start3A_26 = tpu.memref_squeeze %dma_start3A_25 : memref<1x8192xf32, #tpu.memory_space<hbm>> -> memref<8192xf32, #tpu.memory_space<hbm>>
    %dma_start3A_27 = arith.constant 0 : i32
    %dma_start3A_28 = tpu.memref_slice %arg4[%dma_start3A_20, %dma_start3A_27] : memref<2x8192xf32, #tpu.memory_space<vmem>> -> memref<1x8192xf32, #tpu.memory_space<vmem>>
    %dma_start3A_29 = tpu.memref_squeeze %dma_start3A_28 : memref<1x8192xf32, #tpu.memory_space<vmem>> -> memref<8192xf32, #tpu.memory_space<vmem>>
    %dma_start3A_30 = arith.constant 0 : i32
    %dma_start3A_31 = tpu.memref_slice %arg2[%add3A_19, %dma_start3A_30] : memref<64x8192xf32, #tpu.memory_space<hbm>> -> memref<1x8192xf32, #tpu.memory_space<hbm>>
    %dma_start3A_32 = tpu.memref_squeeze %dma_start3A_31 : memref<1x8192xf32, #tpu.memory_space<hbm>> -> memref<8192xf32, #tpu.memory_space<hbm>>
    tpu.enqueue_dma source(%dma_start3A_32 : memref<8192xf32, #tpu.memory_space<hbm>>) target(%dma_start3A_29 : memref<8192xf32, #tpu.memory_space<vmem>>) target_semaphore(%arg7 : memref<!tpu.dma_semaphore, #tpu.memory_space<semaphore_mem>>)
    %broadcast_in_dim3A_33 = arith.constant 0 : i32
    %broadcast_in_dim3A_34 = vector.broadcast %broadcast_in_dim3A_33 : i32 to vector<16xi32>
    %dma_wait3A = arith.constant 0 : i32
    %dma_wait3A_35 = arith.constant 0 : i32
    %dma_wait3A_36 = tpu.memref_slice %arg4[%dma_wait3A, %dma_wait3A_35] : memref<2x8192xf32, #tpu.memory_space<vmem>> -> memref<1x8192xf32, #tpu.memory_space<vmem>>
    %dma_wait3A_37 = tpu.memref_squeeze %dma_wait3A_36 : memref<1x8192xf32, #tpu.memory_space<vmem>> -> memref<8192xf32, #tpu.memory_space<vmem>>
    %dma_wait3A_38 = arith.constant 0 : i32
    %dma_wait3A_39 = tpu.memref_slice %arg2[%add3A_5, %dma_wait3A_38] : memref<64x8192xf32, #tpu.memory_space<hbm>> -> memref<1x8192xf32, #tpu.memory_space<hbm>>
    %dma_wait3A_40 = tpu.memref_squeeze %dma_wait3A_39 : memref<1x8192xf32, #tpu.memory_space<hbm>> -> memref<8192xf32, #tpu.memory_space<hbm>>
    %dma_wait3A_41 = arith.constant 0 : i32
    %dma_wait3A_42 = tpu.memref_slice %arg4[%dma_wait3A, %dma_wait3A_41] : memref<2x8192xf32, #tpu.memory_space<vmem>> -> memref<1x8192xf32, #tpu.memory_space<vmem>>
    %dma_wait3A_43 = tpu.memref_squeeze %dma_wait3A_42 : memref<1x8192xf32, #tpu.memory_space<vmem>> -> memref<8192xf32, #tpu.memory_space<vmem>>
    %dma_wait3A_44 = arith.constant 0 : i32
    %dma_wait3A_45 = tpu.memref_slice %arg2[%add3A_5, %dma_wait3A_44] : memref<64x8192xf32, #tpu.memory_space<hbm>> -> memref<1x8192xf32, #tpu.memory_space<hbm>>
    %dma_wait3A_46 = tpu.memref_squeeze %dma_wait3A_45 : memref<1x8192xf32, #tpu.memory_space<hbm>> -> memref<8192xf32, #tpu.memory_space<hbm>>
    tpu.wait_dma2 semaphore(%arg6 : memref<!tpu.dma_semaphore, #tpu.memory_space<semaphore_mem>>) src(%dma_wait3A_46 : memref<8192xf32, #tpu.memory_space<hbm>>) dst(%dma_wait3A_43 : memref<8192xf32, #tpu.memory_space<vmem>>)
    %scan3A = arith.constant 0 : i32
    %scan3A_47 = arith.constant 32 : i32
    %scan3A_48 = arith.addi %scan3A, %scan3A_47 : i32
    %scan3A_49 = arith.constant 1 : i32
    %scan3A_50:4 = scf.for %scan3A_150 = %scan3A to %scan3A_48 step %scan3A_49 iter_args(%scan3A_151 = %broadcast_in_dim3A_34, %scan3A_152 = %broadcast_in_dim3A_34, %scan3A_153 = %broadcast_in_dim3A_34, %scan3A_154 = %broadcast_in_dim3A_34) -> (vector<16xi32>, vector<16xi32>, vector<16xi32>, vector<16xi32>)  : i32 {
      %mul3A_155 = arith.constant 16 : i32
      %mul3A_156 = arith.muli %scan3A_150, %mul3A_155 : i32
      %add3A_157 = arith.constant 0 : i32
      %add3A_158 = arith.addi %mul3A_156, %add3A_157 : i32
      %mul3A_159 = arith.constant 16 : i32
      %mul3A_160 = arith.muli %add3A_158, %mul3A_159 : i32
      %get3A = arith.constant 0 : i32
      %get3A_161 = arith.index_cast %get3A : i32 to index
      %get3A_162 = arith.index_cast %mul3A_160 : i32 to index
      %get3A_163 = tpu.vector_load %arg4[%get3A_161, %get3A_162] {strides = array<i32>} : memref<2x8192xf32, #tpu.memory_space<vmem>>, vector<1x16xf32>,
      %get3A_164 = vector.shape_cast %get3A_163 : vector<1x16xf32> to vector<16xf32>
      %bitcast_convert_type3A = tpu.bitcast %get3A_164 : vector<16xf32> -> vector<16xi32>
      %and3A = arith.andi %bitcast_convert_type3A, %broadcast_in_dim3A_3 : vector<16xi32>
      %max3A_165 = arith.maxsi %scan3A_151, %and3A : vector<16xi32>
      %mul3A_166 = arith.constant 16 : i32
      %mul3A_167 = arith.muli %scan3A_150, %mul3A_166 : i32
      %add3A_168 = arith.constant 1 : i32
      %add3A_169 = arith.addi %mul3A_167, %add3A_168 : i32
      %mul3A_170 = arith.constant 16 : i32
      %mul3A_171 = arith.muli %add3A_169, %mul3A_170 : i32
      %get3A_172 = arith.constant 0 : i32
      %get3A_173 = arith.index_cast %get3A_172 : i32 to index
      %get3A_174 = arith.index_cast %mul3A_171 : i32 to index
      %get3A_175 = tpu.vector_load %arg4[%get3A_173, %get3A_174] {strides = array<i32>} : memref<2x8192xf32, #tpu.memory_space<vmem>>, vector<1x16xf32>,
      %get3A_176 = vector.shape_cast %get3A_175 : vector<1x16xf32> to vector<16xf32>
      %bitcast_convert_type3A_177 = tpu.bitcast %get3A_176 : vector<16xf32> -> vector<16xi32>
      %and3A_178 = arith.andi %bitcast_convert_type3A_177, %broadcast_in_dim3A_3 : vector<16xi32>
      %max3A_179 = arith.maxsi %scan3A_152, %and3A_178 : vector<16xi32>
      %mul3A_180 = arith.constant 16 : i32
      %mul3A_181 = arith.muli %scan3A_150, %mul3A_180 : i32
      %add3A_182 = arith.constant 2 : i32
      %add3A_183 = arith.addi %mul3A_181, %add3A_182 : i32
      %mul3A_184 = arith.constant 16 : i32
      %mul3A_185 = arith.muli %add3A_183, %mul3A_184 : i32
      %get3A_186 = arith.constant 0 : i32
      %get3A_187 = arith.index_cast %get3A_186 : i32 to index
      %get3A_188 = arith.index_cast %mul3A_185 : i32 to index
      %get3A_189 = tpu.vector_load %arg4[%get3A_187, %get3A_188] {strides = array<i32>} : memref<2x8192xf32, #tpu.memory_space<vmem>>, vector<1x16xf32>,
      %get3A_190 = vector.shape_cast %get3A_189 : vector<1x16xf32> to vector<16xf32>
      %bitcast_convert_type3A_191 = tpu.bitcast %get3A_190 : vector<16xf32> -> vector<16xi32>
      %and3A_192 = arith.andi %bitcast_convert_type3A_191, %broadcast_in_dim3A_3 : vector<16xi32>
      %max3A_193 = arith.maxsi %scan3A_153, %and3A_192 : vector<16xi32>
      %mul3A_194 = arith.constant 16 : i32
      %mul3A_195 = arith.muli %scan3A_150, %mul3A_194 : i32
      %add3A_196 = arith.constant 3 : i32
      %add3A_197 = arith.addi %mul3A_195, %add3A_196 : i32
      %mul3A_198 = arith.constant 16 : i32
      %mul3A_199 = arith.muli %add3A_197, %mul3A_198 : i32
      %get3A_200 = arith.constant 0 : i32
      %get3A_201 = arith.index_cast %get3A_200 : i32 to index
      %get3A_202 = arith.index_cast %mul3A_199 : i32 to index
      %get3A_203 = tpu.vector_load %arg4[%get3A_201, %get3A_202] {strides = array<i32>} : memref<2x8192xf32, #tpu.memory_space<vmem>>, vector<1x16xf32>,
      %get3A_204 = vector.shape_cast %get3A_203 : vector<1x16xf32> to vector<16xf32>
      %bitcast_convert_type3A_205 = tpu.bitcast %get3A_204 : vector<16xf32> -> vector<16xi32>
      %and3A_206 = arith.andi %bitcast_convert_type3A_205, %broadcast_in_dim3A_3 : vector<16xi32>
      %max3A_207 = arith.maxsi %scan3A_154, %and3A_206 : vector<16xi32>
      %mul3A_208 = arith.constant 16 : i32
      %mul3A_209 = arith.muli %scan3A_150, %mul3A_208 : i32
      %add3A_210 = arith.constant 4 : i32
      %add3A_211 = arith.addi %mul3A_209, %add3A_210 : i32
      %mul3A_212 = arith.constant 16 : i32
      %mul3A_213 = arith.muli %add3A_211, %mul3A_212 : i32
      %get3A_214 = arith.constant 0 : i32
      %get3A_215 = arith.index_cast %get3A_214 : i32 to index
      %get3A_216 = arith.index_cast %mul3A_213 : i32 to index
      %get3A_217 = tpu.vector_load %arg4[%get3A_215, %get3A_216] {strides = array<i32>} : memref<2x8192xf32, #tpu.memory_space<vmem>>, vector<1x16xf32>,
      %get3A_218 = vector.shape_cast %get3A_217 : vector<1x16xf32> to vector<16xf32>
      %bitcast_convert_type3A_219 = tpu.bitcast %get3A_218 : vector<16xf32> -> vector<16xi32>
      %and3A_220 = arith.andi %bitcast_convert_type3A_219, %broadcast_in_dim3A_3 : vector<16xi32>
      %max3A_221 = arith.maxsi %max3A_165, %and3A_220 : vector<16xi32>
      %mul3A_222 = arith.constant 16 : i32
      %mul3A_223 = arith.muli %scan3A_150, %mul3A_222 : i32
      %add3A_224 = arith.constant 5 : i32
      %add3A_225 = arith.addi %mul3A_223, %add3A_224 : i32
      %mul3A_226 = arith.constant 16 : i32
      %mul3A_227 = arith.muli %add3A_225, %mul3A_226 : i32
      %get3A_228 = arith.constant 0 : i32
      %get3A_229 = arith.index_cast %get3A_228 : i32 to index
      %get3A_230 = arith.index_cast %mul3A_227 : i32 to index
      %get3A_231 = tpu.vector_load %arg4[%get3A_229, %get3A_230] {strides = array<i32>} : memref<2x8192xf32, #tpu.memory_space<vmem>>, vector<1x16xf32>,
      %get3A_232 = vector.shape_cast %get3A_231 : vector<1x16xf32> to vector<16xf32>
      %bitcast_convert_type3A_233 = tpu.bitcast %get3A_232 : vector<16xf32> -> vector<16xi32>
      %and3A_234 = arith.andi %bitcast_convert_type3A_233, %broadcast_in_dim3A_3 : vector<16xi32>
      %max3A_235 = arith.maxsi %max3A_179, %and3A_234 : vector<16xi32>
      %mul3A_236 = arith.constant 16 : i32
      %mul3A_237 = arith.muli %scan3A_150, %mul3A_236 : i32
      %add3A_238 = arith.constant 6 : i32
      %add3A_239 = arith.addi %mul3A_237, %add3A_238 : i32
      %mul3A_240 = arith.constant 16 : i32
      %mul3A_241 = arith.muli %add3A_239, %mul3A_240 : i32
      %get3A_242 = arith.constant 0 : i32
      %get3A_243 = arith.index_cast %get3A_242 : i32 to index
      %get3A_244 = arith.index_cast %mul3A_241 : i32 to index
      %get3A_245 = tpu.vector_load %arg4[%get3A_243, %get3A_244] {strides = array<i32>} : memref<2x8192xf32, #tpu.memory_space<vmem>>, vector<1x16xf32>,
      %get3A_246 = vector.shape_cast %get3A_245 : vector<1x16xf32> to vector<16xf32>
      %bitcast_convert_type3A_247 = tpu.bitcast %get3A_246 : vector<16xf32> -> vector<16xi32>
      %and3A_248 = arith.andi %bitcast_convert_type3A_247, %broadcast_in_dim3A_3 : vector<16xi32>
      %max3A_249 = arith.maxsi %max3A_193, %and3A_248 : vector<16xi32>
      %mul3A_250 = arith.constant 16 : i32
      %mul3A_251 = arith.muli %scan3A_150, %mul3A_250 : i32
      %add3A_252 = arith.constant 7 : i32
      %add3A_253 = arith.addi %mul3A_251, %add3A_252 : i32
      %mul3A_254 = arith.constant 16 : i32
      %mul3A_255 = arith.muli %add3A_253, %mul3A_254 : i32
      %get3A_256 = arith.constant 0 : i32
      %get3A_257 = arith.index_cast %get3A_256 : i32 to index
      %get3A_258 = arith.index_cast %mul3A_255 : i32 to index
      %get3A_259 = tpu.vector_load %arg4[%get3A_257, %get3A_258] {strides = array<i32>} : memref<2x8192xf32, #tpu.memory_space<vmem>>, vector<1x16xf32>,
      %get3A_260 = vector.shape_cast %get3A_259 : vector<1x16xf32> to vector<16xf32>
      %bitcast_convert_type3A_261 = tpu.bitcast %get3A_260 : vector<16xf32> -> vector<16xi32>
      %and3A_262 = arith.andi %bitcast_convert_type3A_261, %broadcast_in_dim3A_3 : vector<16xi32>
      %max3A_263 = arith.maxsi %max3A_207, %and3A_262 : vector<16xi32>
      %mul3A_264 = arith.constant 16 : i32
      %mul3A_265 = arith.muli %scan3A_150, %mul3A_264 : i32
      %add3A_266 = arith.constant 8 : i32
      %add3A_267 = arith.addi %mul3A_265, %add3A_266 : i32
      %mul3A_268 = arith.constant 16 : i32
      %mul3A_269 = arith.muli %add3A_267, %mul3A_268 : i32
      %get3A_270 = arith.constant 0 : i32
      %get3A_271 = arith.index_cast %get3A_270 : i32 to index
      %get3A_272 = arith.index_cast %mul3A_269 : i32 to index
      %get3A_273 = tpu.vector_load %arg4[%get3A_271, %get3A_272] {strides = array<i32>} : memref<2x8192xf32, #tpu.memory_space<vmem>>, vector<1x16xf32>,
      %get3A_274 = vector.shape_cast %get3A_273 : vector<1x16xf32> to vector<16xf32>
      %bitcast_convert_type3A_275 = tpu.bitcast %get3A_274 : vector<16xf32> -> vector<16xi32>
      %and3A_276 = arith.andi %bitcast_convert_type3A_275, %broadcast_in_dim3A_3 : vector<16xi32>
      %max3A_277 = arith.maxsi %max3A_221, %and3A_276 : vector<16xi32>
      %mul3A_278 = arith.constant 16 : i32
      %mul3A_279 = arith.muli %scan3A_150, %mul3A_278 : i32
      %add3A_280 = arith.constant 9 : i32
      %add3A_281 = arith.addi %mul3A_279, %add3A_280 : i32
      %mul3A_282 = arith.constant 16 : i32
      %mul3A_283 = arith.muli %add3A_281, %mul3A_282 : i32
      %get3A_284 = arith.constant 0 : i32
      %get3A_285 = arith.index_cast %get3A_284 : i32 to index
      %get3A_286 = arith.index_cast %mul3A_283 : i32 to index
      %get3A_287 = tpu.vector_load %arg4[%get3A_285, %get3A_286] {strides = array<i32>} : memref<2x8192xf32, #tpu.memory_space<vmem>>, vector<1x16xf32>,
      %get3A_288 = vector.shape_cast %get3A_287 : vector<1x16xf32> to vector<16xf32>
      %bitcast_convert_type3A_289 = tpu.bitcast %get3A_288 : vector<16xf32> -> vector<16xi32>
      %and3A_290 = arith.andi %bitcast_convert_type3A_289, %broadcast_in_dim3A_3 : vector<16xi32>
      %max3A_291 = arith.maxsi %max3A_235, %and3A_290 : vector<16xi32>
      %mul3A_292 = arith.constant 16 : i32
      %mul3A_293 = arith.muli %scan3A_150, %mul3A_292 : i32
      %add3A_294 = arith.constant 10 : i32
      %add3A_295 = arith.addi %mul3A_293, %add3A_294 : i32
      %mul3A_296 = arith.constant 16 : i32
      %mul3A_297 = arith.muli %add3A_295, %mul3A_296 : i32
      %get3A_298 = arith.constant 0 : i32
      %get3A_299 = arith.index_cast %get3A_298 : i32 to index
      %get3A_300 = arith.index_cast %mul3A_297 : i32 to index
      %get3A_301 = tpu.vector_load %arg4[%get3A_299, %get3A_300] {strides = array<i32>} : memref<2x8192xf32, #tpu.memory_space<vmem>>, vector<1x16xf32>,
      %get3A_302 = vector.shape_cast %get3A_301 : vector<1x16xf32> to vector<16xf32>
      %bitcast_convert_type3A_303 = tpu.bitcast %get3A_302 : vector<16xf32> -> vector<16xi32>
      %and3A_304 = arith.andi %bitcast_convert_type3A_303, %broadcast_in_dim3A_3 : vector<16xi32>
      %max3A_305 = arith.maxsi %max3A_249, %and3A_304 : vector<16xi32>
      %mul3A_306 = arith.constant 16 : i32
      %mul3A_307 = arith.muli %scan3A_150, %mul3A_306 : i32
      %add3A_308 = arith.constant 11 : i32
      %add3A_309 = arith.addi %mul3A_307, %add3A_308 : i32
      %mul3A_310 = arith.constant 16 : i32
      %mul3A_311 = arith.muli %add3A_309, %mul3A_310 : i32
      %get3A_312 = arith.constant 0 : i32
      %get3A_313 = arith.index_cast %get3A_312 : i32 to index
      %get3A_314 = arith.index_cast %mul3A_311 : i32 to index
      %get3A_315 = tpu.vector_load %arg4[%get3A_313, %get3A_314] {strides = array<i32>} : memref<2x8192xf32, #tpu.memory_space<vmem>>, vector<1x16xf32>,
      %get3A_316 = vector.shape_cast %get3A_315 : vector<1x16xf32> to vector<16xf32>
      %bitcast_convert_type3A_317 = tpu.bitcast %get3A_316 : vector<16xf32> -> vector<16xi32>
      %and3A_318 = arith.andi %bitcast_convert_type3A_317, %broadcast_in_dim3A_3 : vector<16xi32>
      %max3A_319 = arith.maxsi %max3A_263, %and3A_318 : vector<16xi32>
      %mul3A_320 = arith.constant 16 : i32
      %mul3A_321 = arith.muli %scan3A_150, %mul3A_320 : i32
      %add3A_322 = arith.constant 12 : i32
      %add3A_323 = arith.addi %mul3A_321, %add3A_322 : i32
      %mul3A_324 = arith.constant 16 : i32
      %mul3A_325 = arith.muli %add3A_323, %mul3A_324 : i32
      %get3A_326 = arith.constant 0 : i32
      %get3A_327 = arith.index_cast %get3A_326 : i32 to index
      %get3A_328 = arith.index_cast %mul3A_325 : i32 to index
      %get3A_329 = tpu.vector_load %arg4[%get3A_327, %get3A_328] {strides = array<i32>} : memref<2x8192xf32, #tpu.memory_space<vmem>>, vector<1x16xf32>,
      %get3A_330 = vector.shape_cast %get3A_329 : vector<1x16xf32> to vector<16xf32>
      %bitcast_convert_type3A_331 = tpu.bitcast %get3A_330 : vector<16xf32> -> vector<16xi32>
      %and3A_332 = arith.andi %bitcast_convert_type3A_331, %broadcast_in_dim3A_3 : vector<16xi32>
      %max3A_333 = arith.maxsi %max3A_277, %and3A_332 : vector<16xi32>
      %mul3A_334 = arith.constant 16 : i32
      %mul3A_335 = arith.muli %scan3A_150, %mul3A_334 : i32
      %add3A_336 = arith.constant 13 : i32
      %add3A_337 = arith.addi %mul3A_335, %add3A_336 : i32
      %mul3A_338 = arith.constant 16 : i32
      %mul3A_339 = arith.muli %add3A_337, %mul3A_338 : i32
      %get3A_340 = arith.constant 0 : i32
      %get3A_341 = arith.index_cast %get3A_340 : i32 to index
      %get3A_342 = arith.index_cast %mul3A_339 : i32 to index
      %get3A_343 = tpu.vector_load %arg4[%get3A_341, %get3A_342] {strides = array<i32>} : memref<2x8192xf32, #tpu.memory_space<vmem>>, vector<1x16xf32>,
      %get3A_344 = vector.shape_cast %get3A_343 : vector<1x16xf32> to vector<16xf32>
      %bitcast_convert_type3A_345 = tpu.bitcast %get3A_344 : vector<16xf32> -> vector<16xi32>
      %and3A_346 = arith.andi %bitcast_convert_type3A_345, %broadcast_in_dim3A_3 : vector<16xi32>
      %max3A_347 = arith.maxsi %max3A_291, %and3A_346 : vector<16xi32>
      %mul3A_348 = arith.constant 16 : i32
      %mul3A_349 = arith.muli %scan3A_150, %mul3A_348 : i32
      %add3A_350 = arith.constant 14 : i32
      %add3A_351 = arith.addi %mul3A_349, %add3A_350 : i32
      %mul3A_352 = arith.constant 16 : i32
      %mul3A_353 = arith.muli %add3A_351, %mul3A_352 : i32
      %get3A_354 = arith.constant 0 : i32
      %get3A_355 = arith.index_cast %get3A_354 : i32 to index
      %get3A_356 = arith.index_cast %mul3A_353 : i32 to index
      %get3A_357 = tpu.vector_load %arg4[%get3A_355, %get3A_356] {strides = array<i32>} : memref<2x8192xf32, #tpu.memory_space<vmem>>, vector<1x16xf32>,
      %get3A_358 = vector.shape_cast %get3A_357 : vector<1x16xf32> to vector<16xf32>
      %bitcast_convert_type3A_359 = tpu.bitcast %get3A_358 : vector<16xf32> -> vector<16xi32>
      %and3A_360 = arith.andi %bitcast_convert_type3A_359, %broadcast_in_dim3A_3 : vector<16xi32>
      %max3A_361 = arith.maxsi %max3A_305, %and3A_360 : vector<16xi32>
      %mul3A_362 = arith.constant 16 : i32
      %mul3A_363 = arith.muli %scan3A_150, %mul3A_362 : i32
      %add3A_364 = arith.constant 15 : i32
      %add3A_365 = arith.addi %mul3A_363, %add3A_364 : i32
      %mul3A_366 = arith.constant 16 : i32
      %mul3A_367 = arith.muli %add3A_365, %mul3A_366 : i32
      %get3A_368 = arith.constant 0 : i32
      %get3A_369 = arith.index_cast %get3A_368 : i32 to index
      %get3A_370 = arith.index_cast %mul3A_367 : i32 to index
      %get3A_371 = tpu.vector_load %arg4[%get3A_369, %get3A_370] {strides = array<i32>} : memref<2x8192xf32, #tpu.memory_space<vmem>>, vector<1x16xf32>,
      %get3A_372 = vector.shape_cast %get3A_371 : vector<1x16xf32> to vector<16xf32>
      %bitcast_convert_type3A_373 = tpu.bitcast %get3A_372 : vector<16xf32> -> vector<16xi32>
      %and3A_374 = arith.andi %bitcast_convert_type3A_373, %broadcast_in_dim3A_3 : vector<16xi32>
      %max3A_375 = arith.maxsi %max3A_319, %and3A_374 : vector<16xi32>
      scf.yield %max3A_333, %max3A_347, %max3A_361, %max3A_375 : vector<16xi32>, vector<16xi32>, vector<16xi32>, vector<16xi32>
    }
    %scan3A_51 = arith.constant 32 : i32
    %add3A_52 = arith.constant 2 : i32
    %add3A_53 = arith.addi %mul3A_2, %add3A_52 : i32
    %dma_start3A_54 = arith.constant 0 : i32
    %dma_start3A_55 = arith.constant 0 : i32
    %dma_start3A_56 = tpu.memref_slice %arg4[%dma_start3A_54, %dma_start3A_55] : memref<2x8192xf32, #tpu.memory_space<vmem>> -> memref<1x8192xf32, #tpu.memory_space<vmem>>
    %dma_start3A_57 = tpu.memref_squeeze %dma_start3A_56 : memref<1x8192xf32, #tpu.memory_space<vmem>> -> memref<8192xf32, #tpu.memory_space<vmem>>
    %dma_start3A_58 = arith.constant 0 : i32
    %dma_start3A_59 = tpu.memref_slice %arg2[%add3A_53, %dma_start3A_58] : memref<64x8192xf32, #tpu.memory_space<hbm>> -> memref<1x8192xf32, #tpu.memory_space<hbm>>
    %dma_start3A_60 = tpu.memref_squeeze %dma_start3A_59 : memref<1x8192xf32, #tpu.memory_space<hbm>> -> memref<8192xf32, #tpu.memory_space<hbm>>
    %dma_start3A_61 = arith.constant 0 : i32
    %dma_start3A_62 = tpu.memref_slice %arg4[%dma_start3A_54, %dma_start3A_61] : memref<2x8192xf32, #tpu.memory_space<vmem>> -> memref<1x8192xf32, #tpu.memory_space<vmem>>
    %dma_start3A_63 = tpu.memref_squeeze %dma_start3A_62 : memref<1x8192xf32, #tpu.memory_space<vmem>> -> memref<8192xf32, #tpu.memory_space<vmem>>
    %dma_start3A_64 = arith.constant 0 : i32
    %dma_start3A_65 = tpu.memref_slice %arg2[%add3A_53, %dma_start3A_64] : memref<64x8192xf32, #tpu.memory_space<hbm>> -> memref<1x8192xf32, #tpu.memory_space<hbm>>
    %dma_start3A_66 = tpu.memref_squeeze %dma_start3A_65 : memref<1x8192xf32, #tpu.memory_space<hbm>> -> memref<8192xf32, #tpu.memory_space<hbm>>
    tpu.enqueue_dma source(%dma_start3A_66 : memref<8192xf32, #tpu.memory_space<hbm>>) target(%dma_start3A_63 : memref<8192xf32, #tpu.memory_space<vmem>>) target_semaphore(%arg6 : memref<!tpu.dma_semaphore, #tpu.memory_space<semaphore_mem>>)
    %dma_wait3A_67 = arith.constant 1 : i32
    %dma_wait3A_68 = arith.constant 0 : i32
    %dma_wait3A_69 = tpu.memref_slice %arg4[%dma_wait3A_67, %dma_wait3A_68] : memref<2x8192xf32, #tpu.memory_space<vmem>> -> memref<1x8192xf32, #tpu.memory_space<vmem>>
    %dma_wait3A_70 = tpu.memref_squeeze %dma_wait3A_69 : memref<1x8192xf32, #tpu.memory_space<vmem>> -> memref<8192xf32, #tpu.memory_space<vmem>>
    %dma_wait3A_71 = arith.constant 0 : i32
    %dma_wait3A_72 = tpu.memref_slice %arg2[%add3A_19, %dma_wait3A_71] : memref<64x8192xf32, #tpu.memory_space<hbm>> -> memref<1x8192xf32, #tpu.memory_space<hbm>>
    %dma_wait3A_73 = tpu.memref_squeeze %dma_wait3A_72 : memref<1x8192xf32, #tpu.memory_space<hbm>> -> memref<8192xf32, #tpu.memory_space<hbm>>
    %dma_wait3A_74 = arith.constant 0 : i32
    %dma_wait3A_75 = tpu.memref_slice %arg4[%dma_wait3A_67, %dma_wait3A_74] : memref<2x8192xf32, #tpu.memory_space<vmem>> -> memref<1x8192xf32, #tpu.memory_space<vmem>>
    %dma_wait3A_76 = tpu.memref_squeeze %dma_wait3A_75 : memref<1x8192xf32, #tpu.memory_space<vmem>> -> memref<8192xf32, #tpu.memory_space<vmem>>
    %dma_wait3A_77 = arith.constant 0 : i32
    %dma_wait3A_78 = tpu.memref_slice %arg2[%add3A_19, %dma_wait3A_77] : memref<64x8192xf32, #tpu.memory_space<hbm>> -> memref<1x8192xf32, #tpu.memory_space<hbm>>
    %dma_wait3A_79 = tpu.memref_squeeze %dma_wait3A_78 : memref<1x8192xf32, #tpu.memory_space<hbm>> -> memref<8192xf32, #tpu.memory_space<hbm>>
    tpu.wait_dma2 semaphore(%arg7 : memref<!tpu.dma_semaphore, #tpu.memory_space<semaphore_mem>>) src(%dma_wait3A_79 : memref<8192xf32, #tpu.memory_space<hbm>>) dst(%dma_wait3A_76 : memref<8192xf32, #tpu.memory_space<vmem>>)
    %scan3A_80 = arith.constant 0 : i32
    %scan3A_81 = arith.constant 32 : i32
    %scan3A_82 = arith.addi %scan3A_80, %scan3A_81 : i32
    %scan3A_83 = arith.constant 1 : i32
    %scan3A_84:4 = scf.for %scan3A_150 = %scan3A_80 to %scan3A_82 step %scan3A_83 iter_args(%scan3A_151 = %scan3A_50#0, %scan3A_152 = %scan3A_50#1, %scan3A_153 = %scan3A_50#2, %scan3A_154 = %scan3A_50#3) -> (vector<16xi32>, vector<16xi32>, vector<16xi32>, vector<16xi32>)  : i32 {
      %mul3A_155 = arith.constant 16 : i32
      %mul3A_156 = arith.muli %scan3A_150, %mul3A_155 : i32
      %add3A_157 = arith.constant 0 : i32
      %add3A_158 = arith.addi %mul3A_156, %add3A_157 : i32
      %mul3A_159 = arith.constant 16 : i32
      %mul3A_160 = arith.muli %add3A_158, %mul3A_159 : i32
      %get3A = arith.constant 1 : i32
      %get3A_161 = arith.index_cast %get3A : i32 to index
      %get3A_162 = arith.index_cast %mul3A_160 : i32 to index
      %get3A_163 = tpu.vector_load %arg4[%get3A_161, %get3A_162] {strides = array<i32>} : memref<2x8192xf32, #tpu.memory_space<vmem>>, vector<1x16xf32>,
      %get3A_164 = vector.shape_cast %get3A_163 : vector<1x16xf32> to vector<16xf32>
      %bitcast_convert_type3A = tpu.bitcast %get3A_164 : vector<16xf32> -> vector<16xi32>
      %and3A = arith.andi %bitcast_convert_type3A, %broadcast_in_dim3A_3 : vector<16xi32>
      %max3A_165 = arith.maxsi %scan3A_151, %and3A : vector<16xi32>
      %mul3A_166 = arith.constant 16 : i32
      %mul3A_167 = arith.muli %scan3A_150, %mul3A_166 : i32
      %add3A_168 = arith.constant 1 : i32
      %add3A_169 = arith.addi %mul3A_167, %add3A_168 : i32
      %mul3A_170 = arith.constant 16 : i32
      %mul3A_171 = arith.muli %add3A_169, %mul3A_170 : i32
      %get3A_172 = arith.constant 1 : i32
      %get3A_173 = arith.index_cast %get3A_172 : i32 to index
      %get3A_174 = arith.index_cast %mul3A_171 : i32 to index
      %get3A_175 = tpu.vector_load %arg4[%get3A_173, %get3A_174] {strides = array<i32>} : memref<2x8192xf32, #tpu.memory_space<vmem>>, vector<1x16xf32>,
      %get3A_176 = vector.shape_cast %get3A_175 : vector<1x16xf32> to vector<16xf32>
      %bitcast_convert_type3A_177 = tpu.bitcast %get3A_176 : vector<16xf32> -> vector<16xi32>
      %and3A_178 = arith.andi %bitcast_convert_type3A_177, %broadcast_in_dim3A_3 : vector<16xi32>
      %max3A_179 = arith.maxsi %scan3A_152, %and3A_178 : vector<16xi32>
      %mul3A_180 = arith.constant 16 : i32
      %mul3A_181 = arith.muli %scan3A_150, %mul3A_180 : i32
      %add3A_182 = arith.constant 2 : i32
      %add3A_183 = arith.addi %mul3A_181, %add3A_182 : i32
      %mul3A_184 = arith.constant 16 : i32
      %mul3A_185 = arith.muli %add3A_183, %mul3A_184 : i32
      %get3A_186 = arith.constant 1 : i32
      %get3A_187 = arith.index_cast %get3A_186 : i32 to index
      %get3A_188 = arith.index_cast %mul3A_185 : i32 to index
      %get3A_189 = tpu.vector_load %arg4[%get3A_187, %get3A_188] {strides = array<i32>} : memref<2x8192xf32, #tpu.memory_space<vmem>>, vector<1x16xf32>,
      %get3A_190 = vector.shape_cast %get3A_189 : vector<1x16xf32> to vector<16xf32>
      %bitcast_convert_type3A_191 = tpu.bitcast %get3A_190 : vector<16xf32> -> vector<16xi32>
      %and3A_192 = arith.andi %bitcast_convert_type3A_191, %broadcast_in_dim3A_3 : vector<16xi32>
      %max3A_193 = arith.maxsi %scan3A_153, %and3A_192 : vector<16xi32>
      %mul3A_194 = arith.constant 16 : i32
      %mul3A_195 = arith.muli %scan3A_150, %mul3A_194 : i32
      %add3A_196 = arith.constant 3 : i32
      %add3A_197 = arith.addi %mul3A_195, %add3A_196 : i32
      %mul3A_198 = arith.constant 16 : i32
      %mul3A_199 = arith.muli %add3A_197, %mul3A_198 : i32
      %get3A_200 = arith.constant 1 : i32
      %get3A_201 = arith.index_cast %get3A_200 : i32 to index
      %get3A_202 = arith.index_cast %mul3A_199 : i32 to index
      %get3A_203 = tpu.vector_load %arg4[%get3A_201, %get3A_202] {strides = array<i32>} : memref<2x8192xf32, #tpu.memory_space<vmem>>, vector<1x16xf32>,
      %get3A_204 = vector.shape_cast %get3A_203 : vector<1x16xf32> to vector<16xf32>
      %bitcast_convert_type3A_205 = tpu.bitcast %get3A_204 : vector<16xf32> -> vector<16xi32>
      %and3A_206 = arith.andi %bitcast_convert_type3A_205, %broadcast_in_dim3A_3 : vector<16xi32>
      %max3A_207 = arith.maxsi %scan3A_154, %and3A_206 : vector<16xi32>
      %mul3A_208 = arith.constant 16 : i32
      %mul3A_209 = arith.muli %scan3A_150, %mul3A_208 : i32
      %add3A_210 = arith.constant 4 : i32
      %add3A_211 = arith.addi %mul3A_209, %add3A_210 : i32
      %mul3A_212 = arith.constant 16 : i32
      %mul3A_213 = arith.muli %add3A_211, %mul3A_212 : i32
      %get3A_214 = arith.constant 1 : i32
      %get3A_215 = arith.index_cast %get3A_214 : i32 to index
      %get3A_216 = arith.index_cast %mul3A_213 : i32 to index
      %get3A_217 = tpu.vector_load %arg4[%get3A_215, %get3A_216] {strides = array<i32>} : memref<2x8192xf32, #tpu.memory_space<vmem>>, vector<1x16xf32>,
      %get3A_218 = vector.shape_cast %get3A_217 : vector<1x16xf32> to vector<16xf32>
      %bitcast_convert_type3A_219 = tpu.bitcast %get3A_218 : vector<16xf32> -> vector<16xi32>
      %and3A_220 = arith.andi %bitcast_convert_type3A_219, %broadcast_in_dim3A_3 : vector<16xi32>
      %max3A_221 = arith.maxsi %max3A_165, %and3A_220 : vector<16xi32>
      %mul3A_222 = arith.constant 16 : i32
      %mul3A_223 = arith.muli %scan3A_150, %mul3A_222 : i32
      %add3A_224 = arith.constant 5 : i32
      %add3A_225 = arith.addi %mul3A_223, %add3A_224 : i32
      %mul3A_226 = arith.constant 16 : i32
      %mul3A_227 = arith.muli %add3A_225, %mul3A_226 : i32
      %get3A_228 = arith.constant 1 : i32
      %get3A_229 = arith.index_cast %get3A_228 : i32 to index
      %get3A_230 = arith.index_cast %mul3A_227 : i32 to index
      %get3A_231 = tpu.vector_load %arg4[%get3A_229, %get3A_230] {strides = array<i32>} : memref<2x8192xf32, #tpu.memory_space<vmem>>, vector<1x16xf32>,
      %get3A_232 = vector.shape_cast %get3A_231 : vector<1x16xf32> to vector<16xf32>
      %bitcast_convert_type3A_233 = tpu.bitcast %get3A_232 : vector<16xf32> -> vector<16xi32>
      %and3A_234 = arith.andi %bitcast_convert_type3A_233, %broadcast_in_dim3A_3 : vector<16xi32>
      %max3A_235 = arith.maxsi %max3A_179, %and3A_234 : vector<16xi32>
      %mul3A_236 = arith.constant 16 : i32
      %mul3A_237 = arith.muli %scan3A_150, %mul3A_236 : i32
      %add3A_238 = arith.constant 6 : i32
      %add3A_239 = arith.addi %mul3A_237, %add3A_238 : i32
      %mul3A_240 = arith.constant 16 : i32
      %mul3A_241 = arith.muli %add3A_239, %mul3A_240 : i32
      %get3A_242 = arith.constant 1 : i32
      %get3A_243 = arith.index_cast %get3A_242 : i32 to index
      %get3A_244 = arith.index_cast %mul3A_241 : i32 to index
      %get3A_245 = tpu.vector_load %arg4[%get3A_243, %get3A_244] {strides = array<i32>} : memref<2x8192xf32, #tpu.memory_space<vmem>>, vector<1x16xf32>,
      %get3A_246 = vector.shape_cast %get3A_245 : vector<1x16xf32> to vector<16xf32>
      %bitcast_convert_type3A_247 = tpu.bitcast %get3A_246 : vector<16xf32> -> vector<16xi32>
      %and3A_248 = arith.andi %bitcast_convert_type3A_247, %broadcast_in_dim3A_3 : vector<16xi32>
      %max3A_249 = arith.maxsi %max3A_193, %and3A_248 : vector<16xi32>
      %mul3A_250 = arith.constant 16 : i32
      %mul3A_251 = arith.muli %scan3A_150, %mul3A_250 : i32
      %add3A_252 = arith.constant 7 : i32
      %add3A_253 = arith.addi %mul3A_251, %add3A_252 : i32
      %mul3A_254 = arith.constant 16 : i32
      %mul3A_255 = arith.muli %add3A_253, %mul3A_254 : i32
      %get3A_256 = arith.constant 1 : i32
      %get3A_257 = arith.index_cast %get3A_256 : i32 to index
      %get3A_258 = arith.index_cast %mul3A_255 : i32 to index
      %get3A_259 = tpu.vector_load %arg4[%get3A_257, %get3A_258] {strides = array<i32>} : memref<2x8192xf32, #tpu.memory_space<vmem>>, vector<1x16xf32>,
      %get3A_260 = vector.shape_cast %get3A_259 : vector<1x16xf32> to vector<16xf32>
      %bitcast_convert_type3A_261 = tpu.bitcast %get3A_260 : vector<16xf32> -> vector<16xi32>
      %and3A_262 = arith.andi %bitcast_convert_type3A_261, %broadcast_in_dim3A_3 : vector<16xi32>
      %max3A_263 = arith.maxsi %max3A_207, %and3A_262 : vector<16xi32>
      %mul3A_264 = arith.constant 16 : i32
      %mul3A_265 = arith.muli %scan3A_150, %mul3A_264 : i32
      %add3A_266 = arith.constant 8 : i32
      %add3A_267 = arith.addi %mul3A_265, %add3A_266 : i32
      %mul3A_268 = arith.constant 16 : i32
      %mul3A_269 = arith.muli %add3A_267, %mul3A_268 : i32
      %get3A_270 = arith.constant 1 : i32
      %get3A_271 = arith.index_cast %get3A_270 : i32 to index
      %get3A_272 = arith.index_cast %mul3A_269 : i32 to index
      %get3A_273 = tpu.vector_load %arg4[%get3A_271, %get3A_272] {strides = array<i32>} : memref<2x8192xf32, #tpu.memory_space<vmem>>, vector<1x16xf32>,
      %get3A_274 = vector.shape_cast %get3A_273 : vector<1x16xf32> to vector<16xf32>
      %bitcast_convert_type3A_275 = tpu.bitcast %get3A_274 : vector<16xf32> -> vector<16xi32>
      %and3A_276 = arith.andi %bitcast_convert_type3A_275, %broadcast_in_dim3A_3 : vector<16xi32>
      %max3A_277 = arith.maxsi %max3A_221, %and3A_276 : vector<16xi32>
      %mul3A_278 = arith.constant 16 : i32
      %mul3A_279 = arith.muli %scan3A_150, %mul3A_278 : i32
      %add3A_280 = arith.constant 9 : i32
      %add3A_281 = arith.addi %mul3A_279, %add3A_280 : i32
      %mul3A_282 = arith.constant 16 : i32
      %mul3A_283 = arith.muli %add3A_281, %mul3A_282 : i32
      %get3A_284 = arith.constant 1 : i32
      %get3A_285 = arith.index_cast %get3A_284 : i32 to index
      %get3A_286 = arith.index_cast %mul3A_283 : i32 to index
      %get3A_287 = tpu.vector_load %arg4[%get3A_285, %get3A_286] {strides = array<i32>} : memref<2x8192xf32, #tpu.memory_space<vmem>>, vector<1x16xf32>,
      %get3A_288 = vector.shape_cast %get3A_287 : vector<1x16xf32> to vector<16xf32>
      %bitcast_convert_type3A_289 = tpu.bitcast %get3A_288 : vector<16xf32> -> vector<16xi32>
      %and3A_290 = arith.andi %bitcast_convert_type3A_289, %broadcast_in_dim3A_3 : vector<16xi32>
      %max3A_291 = arith.maxsi %max3A_235, %and3A_290 : vector<16xi32>
      %mul3A_292 = arith.constant 16 : i32
      %mul3A_293 = arith.muli %scan3A_150, %mul3A_292 : i32
      %add3A_294 = arith.constant 10 : i32
      %add3A_295 = arith.addi %mul3A_293, %add3A_294 : i32
      %mul3A_296 = arith.constant 16 : i32
      %mul3A_297 = arith.muli %add3A_295, %mul3A_296 : i32
      %get3A_298 = arith.constant 1 : i32
      %get3A_299 = arith.index_cast %get3A_298 : i32 to index
      %get3A_300 = arith.index_cast %mul3A_297 : i32 to index
      %get3A_301 = tpu.vector_load %arg4[%get3A_299, %get3A_300] {strides = array<i32>} : memref<2x8192xf32, #tpu.memory_space<vmem>>, vector<1x16xf32>,
      %get3A_302 = vector.shape_cast %get3A_301 : vector<1x16xf32> to vector<16xf32>
      %bitcast_convert_type3A_303 = tpu.bitcast %get3A_302 : vector<16xf32> -> vector<16xi32>
      %and3A_304 = arith.andi %bitcast_convert_type3A_303, %broadcast_in_dim3A_3 : vector<16xi32>
      %max3A_305 = arith.maxsi %max3A_249, %and3A_304 : vector<16xi32>
      %mul3A_306 = arith.constant 16 : i32
      %mul3A_307 = arith.muli %scan3A_150, %mul3A_306 : i32
      %add3A_308 = arith.constant 11 : i32
      %add3A_309 = arith.addi %mul3A_307, %add3A_308 : i32
      %mul3A_310 = arith.constant 16 : i32
      %mul3A_311 = arith.muli %add3A_309, %mul3A_310 : i32
      %get3A_312 = arith.constant 1 : i32
      %get3A_313 = arith.index_cast %get3A_312 : i32 to index
      %get3A_314 = arith.index_cast %mul3A_311 : i32 to index
      %get3A_315 = tpu.vector_load %arg4[%get3A_313, %get3A_314] {strides = array<i32>} : memref<2x8192xf32, #tpu.memory_space<vmem>>, vector<1x16xf32>,
      %get3A_316 = vector.shape_cast %get3A_315 : vector<1x16xf32> to vector<16xf32>
      %bitcast_convert_type3A_317 = tpu.bitcast %get3A_316 : vector<16xf32> -> vector<16xi32>
      %and3A_318 = arith.andi %bitcast_convert_type3A_317, %broadcast_in_dim3A_3 : vector<16xi32>
      %max3A_319 = arith.maxsi %max3A_263, %and3A_318 : vector<16xi32>
      %mul3A_320 = arith.constant 16 : i32
      %mul3A_321 = arith.muli %scan3A_150, %mul3A_320 : i32
      %add3A_322 = arith.constant 12 : i32
      %add3A_323 = arith.addi %mul3A_321, %add3A_322 : i32
      %mul3A_324 = arith.constant 16 : i32
      %mul3A_325 = arith.muli %add3A_323, %mul3A_324 : i32
      %get3A_326 = arith.constant 1 : i32
      %get3A_327 = arith.index_cast %get3A_326 : i32 to index
      %get3A_328 = arith.index_cast %mul3A_325 : i32 to index
      %get3A_329 = tpu.vector_load %arg4[%get3A_327, %get3A_328] {strides = array<i32>} : memref<2x8192xf32, #tpu.memory_space<vmem>>, vector<1x16xf32>,
      %get3A_330 = vector.shape_cast %get3A_329 : vector<1x16xf32> to vector<16xf32>
      %bitcast_convert_type3A_331 = tpu.bitcast %get3A_330 : vector<16xf32> -> vector<16xi32>
      %and3A_332 = arith.andi %bitcast_convert_type3A_331, %broadcast_in_dim3A_3 : vector<16xi32>
      %max3A_333 = arith.maxsi %max3A_277, %and3A_332 : vector<16xi32>
      %mul3A_334 = arith.constant 16 : i32
      %mul3A_335 = arith.muli %scan3A_150, %mul3A_334 : i32
      %add3A_336 = arith.constant 13 : i32
      %add3A_337 = arith.addi %mul3A_335, %add3A_336 : i32
      %mul3A_338 = arith.constant 16 : i32
      %mul3A_339 = arith.muli %add3A_337, %mul3A_338 : i32
      %get3A_340 = arith.constant 1 : i32
      %get3A_341 = arith.index_cast %get3A_340 : i32 to index
      %get3A_342 = arith.index_cast %mul3A_339 : i32 to index
      %get3A_343 = tpu.vector_load %arg4[%get3A_341, %get3A_342] {strides = array<i32>} : memref<2x8192xf32, #tpu.memory_space<vmem>>, vector<1x16xf32>,
      %get3A_344 = vector.shape_cast %get3A_343 : vector<1x16xf32> to vector<16xf32>
      %bitcast_convert_type3A_345 = tpu.bitcast %get3A_344 : vector<16xf32> -> vector<16xi32>
      %and3A_346 = arith.andi %bitcast_convert_type3A_345, %broadcast_in_dim3A_3 : vector<16xi32>
      %max3A_347 = arith.maxsi %max3A_291, %and3A_346 : vector<16xi32>
      %mul3A_348 = arith.constant 16 : i32
      %mul3A_349 = arith.muli %scan3A_150, %mul3A_348 : i32
      %add3A_350 = arith.constant 14 : i32
      %add3A_351 = arith.addi %mul3A_349, %add3A_350 : i32
      %mul3A_352 = arith.constant 16 : i32
      %mul3A_353 = arith.muli %add3A_351, %mul3A_352 : i32
      %get3A_354 = arith.constant 1 : i32
      %get3A_355 = arith.index_cast %get3A_354 : i32 to index
      %get3A_356 = arith.index_cast %mul3A_353 : i32 to index
      %get3A_357 = tpu.vector_load %arg4[%get3A_355, %get3A_356] {strides = array<i32>} : memref<2x8192xf32, #tpu.memory_space<vmem>>, vector<1x16xf32>,
      %get3A_358 = vector.shape_cast %get3A_357 : vector<1x16xf32> to vector<16xf32>
      %bitcast_convert_type3A_359 = tpu.bitcast %get3A_358 : vector<16xf32> -> vector<16xi32>
      %and3A_360 = arith.andi %bitcast_convert_type3A_359, %broadcast_in_dim3A_3 : vector<16xi32>
      %max3A_361 = arith.maxsi %max3A_305, %and3A_360 : vector<16xi32>
      %mul3A_362 = arith.constant 16 : i32
      %mul3A_363 = arith.muli %scan3A_150, %mul3A_362 : i32
      %add3A_364 = arith.constant 15 : i32
      %add3A_365 = arith.addi %mul3A_363, %add3A_364 : i32
      %mul3A_366 = arith.constant 16 : i32
      %mul3A_367 = arith.muli %add3A_365, %mul3A_366 : i32
      %get3A_368 = arith.constant 1 : i32
      %get3A_369 = arith.index_cast %get3A_368 : i32 to index
      %get3A_370 = arith.index_cast %mul3A_367 : i32 to index
      %get3A_371 = tpu.vector_load %arg4[%get3A_369, %get3A_370] {strides = array<i32>} : memref<2x8192xf32, #tpu.memory_space<vmem>>, vector<1x16xf32>,
      %get3A_372 = vector.shape_cast %get3A_371 : vector<1x16xf32> to vector<16xf32>
      %bitcast_convert_type3A_373 = tpu.bitcast %get3A_372 : vector<16xf32> -> vector<16xi32>
      %and3A_374 = arith.andi %bitcast_convert_type3A_373, %broadcast_in_dim3A_3 : vector<16xi32>
      %max3A_375 = arith.maxsi %max3A_319, %and3A_374 : vector<16xi32>
      scf.yield %max3A_333, %max3A_347, %max3A_361, %max3A_375 : vector<16xi32>, vector<16xi32>, vector<16xi32>, vector<16xi32>
    }
    %scan3A_85 = arith.constant 32 : i32
    %add3A_86 = arith.constant 3 : i32
    %add3A_87 = arith.addi %mul3A_2, %add3A_86 : i32
    %dma_start3A_88 = arith.constant 1 : i32
    %dma_start3A_89 = arith.constant 0 : i32
    %dma_start3A_90 = tpu.memref_slice %arg4[%dma_start3A_88, %dma_start3A_89] : memref<2x8192xf32, #tpu.memory_space<vmem>> -> memref<1x8192xf32, #tpu.memory_space<vmem>>
    %dma_start3A_91 = tpu.memref_squeeze %dma_start3A_90 : memref<1x8192xf32, #tpu.memory_space<vmem>> -> memref<8192xf32, #tpu.memory_space<vmem>>
    %dma_start3A_92 = arith.constant 0 : i32
    %dma_start3A_93 = tpu.memref_slice %arg2[%add3A_87, %dma_start3A_92] : memref<64x8192xf32, #tpu.memory_space<hbm>> -> memref<1x8192xf32, #tpu.memory_space<hbm>>
    %dma_start3A_94 = tpu.memref_squeeze %dma_start3A_93 : memref<1x8192xf32, #tpu.memory_space<hbm>> -> memref<8192xf32, #tpu.memory_space<hbm>>
    %dma_start3A_95 = arith.constant 0 : i32
    %dma_start3A_96 = tpu.memref_slice %arg4[%dma_start3A_88, %dma_start3A_95] : memref<2x8192xf32, #tpu.memory_space<vmem>> -> memref<1x8192xf32, #tpu.memory_space<vmem>>
    %dma_start3A_97 = tpu.memref_squeeze %dma_start3A_96 : memref<1x8192xf32, #tpu.memory_space<vmem>> -> memref<8192xf32, #tpu.memory_space<vmem>>
    %dma_start3A_98 = arith.constant 0 : i32
    %dma_start3A_99 = tpu.memref_slice %arg2[%add3A_87, %dma_start3A_98] : memref<64x8192xf32, #tpu.memory_space<hbm>> -> memref<1x8192xf32, #tpu.memory_space<hbm>>
    %dma_start3A_100 = tpu.memref_squeeze %dma_start3A_99 : memref<1x8192xf32, #tpu.memory_space<hbm>> -> memref<8192xf32, #tpu.memory_space<hbm>>
    tpu.enqueue_dma source(%dma_start3A_100 : memref<8192xf32, #tpu.memory_space<hbm>>) target(%dma_start3A_97 : memref<8192xf32, #tpu.memory_space<vmem>>) target_semaphore(%arg7 : memref<!tpu.dma_semaphore, #tpu.memory_space<semaphore_mem>>)
    %dma_wait3A_101 = arith.constant 0 : i32
    %dma_wait3A_102 = arith.constant 0 : i32
    %dma_wait3A_103 = tpu.memref_slice %arg4[%dma_wait3A_101, %dma_wait3A_102] : memref<2x8192xf32, #tpu.memory_space<vmem>> -> memref<1x8192xf32, #tpu.memory_space<vmem>>
    %dma_wait3A_104 = tpu.memref_squeeze %dma_wait3A_103 : memref<1x8192xf32, #tpu.memory_space<vmem>> -> memref<8192xf32, #tpu.memory_space<vmem>>
    %dma_wait3A_105 = arith.constant 0 : i32
    %dma_wait3A_106 = tpu.memref_slice %arg2[%add3A_53, %dma_wait3A_105] : memref<64x8192xf32, #tpu.memory_space<hbm>> -> memref<1x8192xf32, #tpu.memory_space<hbm>>
    %dma_wait3A_107 = tpu.memref_squeeze %dma_wait3A_106 : memref<1x8192xf32, #tpu.memory_space<hbm>> -> memref<8192xf32, #tpu.memory_space<hbm>>
    %dma_wait3A_108 = arith.constant 0 : i32
    %dma_wait3A_109 = tpu.memref_slice %arg4[%dma_wait3A_101, %dma_wait3A_108] : memref<2x8192xf32, #tpu.memory_space<vmem>> -> memref<1x8192xf32, #tpu.memory_space<vmem>>
    %dma_wait3A_110 = tpu.memref_squeeze %dma_wait3A_109 : memref<1x8192xf32, #tpu.memory_space<vmem>> -> memref<8192xf32, #tpu.memory_space<vmem>>
    %dma_wait3A_111 = arith.constant 0 : i32
    %dma_wait3A_112 = tpu.memref_slice %arg2[%add3A_53, %dma_wait3A_111] : memref<64x8192xf32, #tpu.memory_space<hbm>> -> memref<1x8192xf32, #tpu.memory_space<hbm>>
    %dma_wait3A_113 = tpu.memref_squeeze %dma_wait3A_112 : memref<1x8192xf32, #tpu.memory_space<hbm>> -> memref<8192xf32, #tpu.memory_space<hbm>>
    tpu.wait_dma2 semaphore(%arg6 : memref<!tpu.dma_semaphore, #tpu.memory_space<semaphore_mem>>) src(%dma_wait3A_113 : memref<8192xf32, #tpu.memory_space<hbm>>) dst(%dma_wait3A_110 : memref<8192xf32, #tpu.memory_space<vmem>>)
    %scan3A_114 = arith.constant 0 : i32
    %scan3A_115 = arith.constant 32 : i32
    %scan3A_116 = arith.addi %scan3A_114, %scan3A_115 : i32
    %scan3A_117 = arith.constant 1 : i32
    %scan3A_118:4 = scf.for %scan3A_150 = %scan3A_114 to %scan3A_116 step %scan3A_117 iter_args(%scan3A_151 = %scan3A_84#0, %scan3A_152 = %scan3A_84#1, %scan3A_153 = %scan3A_84#2, %scan3A_154 = %scan3A_84#3) -> (vector<16xi32>, vector<16xi32>, vector<16xi32>, vector<16xi32>)  : i32 {
      %mul3A_155 = arith.constant 16 : i32
      %mul3A_156 = arith.muli %scan3A_150, %mul3A_155 : i32
      %add3A_157 = arith.constant 0 : i32
      %add3A_158 = arith.addi %mul3A_156, %add3A_157 : i32
      %mul3A_159 = arith.constant 16 : i32
      %mul3A_160 = arith.muli %add3A_158, %mul3A_159 : i32
      %get3A = arith.constant 0 : i32
      %get3A_161 = arith.index_cast %get3A : i32 to index
      %get3A_162 = arith.index_cast %mul3A_160 : i32 to index
      %get3A_163 = tpu.vector_load %arg4[%get3A_161, %get3A_162] {strides = array<i32>} : memref<2x8192xf32, #tpu.memory_space<vmem>>, vector<1x16xf32>,
      %get3A_164 = vector.shape_cast %get3A_163 : vector<1x16xf32> to vector<16xf32>
      %bitcast_convert_type3A = tpu.bitcast %get3A_164 : vector<16xf32> -> vector<16xi32>
      %and3A = arith.andi %bitcast_convert_type3A, %broadcast_in_dim3A_3 : vector<16xi32>
      %max3A_165 = arith.maxsi %scan3A_151, %and3A : vector<16xi32>
      %mul3A_166 = arith.constant 16 : i32
      %mul3A_167 = arith.muli %scan3A_150, %mul3A_166 : i32
      %add3A_168 = arith.constant 1 : i32
      %add3A_169 = arith.addi %mul3A_167, %add3A_168 : i32
      %mul3A_170 = arith.constant 16 : i32
      %mul3A_171 = arith.muli %add3A_169, %mul3A_170 : i32
      %get3A_172 = arith.constant 0 : i32
      %get3A_173 = arith.index_cast %get3A_172 : i32 to index
      %get3A_174 = arith.index_cast %mul3A_171 : i32 to index
      %get3A_175 = tpu.vector_load %arg4[%get3A_173, %get3A_174] {strides = array<i32>} : memref<2x8192xf32, #tpu.memory_space<vmem>>, vector<1x16xf32>,
      %get3A_176 = vector.shape_cast %get3A_175 : vector<1x16xf32> to vector<16xf32>
      %bitcast_convert_type3A_177 = tpu.bitcast %get3A_176 : vector<16xf32> -> vector<16xi32>
      %and3A_178 = arith.andi %bitcast_convert_type3A_177, %broadcast_in_dim3A_3 : vector<16xi32>
      %max3A_179 = arith.maxsi %scan3A_152, %and3A_178 : vector<16xi32>
      %mul3A_180 = arith.constant 16 : i32
      %mul3A_181 = arith.muli %scan3A_150, %mul3A_180 : i32
      %add3A_182 = arith.constant 2 : i32
      %add3A_183 = arith.addi %mul3A_181, %add3A_182 : i32
      %mul3A_184 = arith.constant 16 : i32
      %mul3A_185 = arith.muli %add3A_183, %mul3A_184 : i32
      %get3A_186 = arith.constant 0 : i32
      %get3A_187 = arith.index_cast %get3A_186 : i32 to index
      %get3A_188 = arith.index_cast %mul3A_185 : i32 to index
      %get3A_189 = tpu.vector_load %arg4[%get3A_187, %get3A_188] {strides = array<i32>} : memref<2x8192xf32, #tpu.memory_space<vmem>>, vector<1x16xf32>,
      %get3A_190 = vector.shape_cast %get3A_189 : vector<1x16xf32> to vector<16xf32>
      %bitcast_convert_type3A_191 = tpu.bitcast %get3A_190 : vector<16xf32> -> vector<16xi32>
      %and3A_192 = arith.andi %bitcast_convert_type3A_191, %broadcast_in_dim3A_3 : vector<16xi32>
      %max3A_193 = arith.maxsi %scan3A_153, %and3A_192 : vector<16xi32>
      %mul3A_194 = arith.constant 16 : i32
      %mul3A_195 = arith.muli %scan3A_150, %mul3A_194 : i32
      %add3A_196 = arith.constant 3 : i32
      %add3A_197 = arith.addi %mul3A_195, %add3A_196 : i32
      %mul3A_198 = arith.constant 16 : i32
      %mul3A_199 = arith.muli %add3A_197, %mul3A_198 : i32
      %get3A_200 = arith.constant 0 : i32
      %get3A_201 = arith.index_cast %get3A_200 : i32 to index
      %get3A_202 = arith.index_cast %mul3A_199 : i32 to index
      %get3A_203 = tpu.vector_load %arg4[%get3A_201, %get3A_202] {strides = array<i32>} : memref<2x8192xf32, #tpu.memory_space<vmem>>, vector<1x16xf32>,
      %get3A_204 = vector.shape_cast %get3A_203 : vector<1x16xf32> to vector<16xf32>
      %bitcast_convert_type3A_205 = tpu.bitcast %get3A_204 : vector<16xf32> -> vector<16xi32>
      %and3A_206 = arith.andi %bitcast_convert_type3A_205, %broadcast_in_dim3A_3 : vector<16xi32>
      %max3A_207 = arith.maxsi %scan3A_154, %and3A_206 : vector<16xi32>
      %mul3A_208 = arith.constant 16 : i32
      %mul3A_209 = arith.muli %scan3A_150, %mul3A_208 : i32
      %add3A_210 = arith.constant 4 : i32
      %add3A_211 = arith.addi %mul3A_209, %add3A_210 : i32
      %mul3A_212 = arith.constant 16 : i32
      %mul3A_213 = arith.muli %add3A_211, %mul3A_212 : i32
      %get3A_214 = arith.constant 0 : i32
      %get3A_215 = arith.index_cast %get3A_214 : i32 to index
      %get3A_216 = arith.index_cast %mul3A_213 : i32 to index
      %get3A_217 = tpu.vector_load %arg4[%get3A_215, %get3A_216] {strides = array<i32>} : memref<2x8192xf32, #tpu.memory_space<vmem>>, vector<1x16xf32>,
      %get3A_218 = vector.shape_cast %get3A_217 : vector<1x16xf32> to vector<16xf32>
      %bitcast_convert_type3A_219 = tpu.bitcast %get3A_218 : vector<16xf32> -> vector<16xi32>
      %and3A_220 = arith.andi %bitcast_convert_type3A_219, %broadcast_in_dim3A_3 : vector<16xi32>
      %max3A_221 = arith.maxsi %max3A_165, %and3A_220 : vector<16xi32>
      %mul3A_222 = arith.constant 16 : i32
      %mul3A_223 = arith.muli %scan3A_150, %mul3A_222 : i32
      %add3A_224 = arith.constant 5 : i32
      %add3A_225 = arith.addi %mul3A_223, %add3A_224 : i32
      %mul3A_226 = arith.constant 16 : i32
      %mul3A_227 = arith.muli %add3A_225, %mul3A_226 : i32
      %get3A_228 = arith.constant 0 : i32
      %get3A_229 = arith.index_cast %get3A_228 : i32 to index
      %get3A_230 = arith.index_cast %mul3A_227 : i32 to index
      %get3A_231 = tpu.vector_load %arg4[%get3A_229, %get3A_230] {strides = array<i32>} : memref<2x8192xf32, #tpu.memory_space<vmem>>, vector<1x16xf32>,
      %get3A_232 = vector.shape_cast %get3A_231 : vector<1x16xf32> to vector<16xf32>
      %bitcast_convert_type3A_233 = tpu.bitcast %get3A_232 : vector<16xf32> -> vector<16xi32>
      %and3A_234 = arith.andi %bitcast_convert_type3A_233, %broadcast_in_dim3A_3 : vector<16xi32>
      %max3A_235 = arith.maxsi %max3A_179, %and3A_234 : vector<16xi32>
      %mul3A_236 = arith.constant 16 : i32
      %mul3A_237 = arith.muli %scan3A_150, %mul3A_236 : i32
      %add3A_238 = arith.constant 6 : i32
      %add3A_239 = arith.addi %mul3A_237, %add3A_238 : i32
      %mul3A_240 = arith.constant 16 : i32
      %mul3A_241 = arith.muli %add3A_239, %mul3A_240 : i32
      %get3A_242 = arith.constant 0 : i32
      %get3A_243 = arith.index_cast %get3A_242 : i32 to index
      %get3A_244 = arith.index_cast %mul3A_241 : i32 to index
      %get3A_245 = tpu.vector_load %arg4[%get3A_243, %get3A_244] {strides = array<i32>} : memref<2x8192xf32, #tpu.memory_space<vmem>>, vector<1x16xf32>,
      %get3A_246 = vector.shape_cast %get3A_245 : vector<1x16xf32> to vector<16xf32>
      %bitcast_convert_type3A_247 = tpu.bitcast %get3A_246 : vector<16xf32> -> vector<16xi32>
      %and3A_248 = arith.andi %bitcast_convert_type3A_247, %broadcast_in_dim3A_3 : vector<16xi32>
      %max3A_249 = arith.maxsi %max3A_193, %and3A_248 : vector<16xi32>
      %mul3A_250 = arith.constant 16 : i32
      %mul3A_251 = arith.muli %scan3A_150, %mul3A_250 : i32
      %add3A_252 = arith.constant 7 : i32
      %add3A_253 = arith.addi %mul3A_251, %add3A_252 : i32
      %mul3A_254 = arith.constant 16 : i32
      %mul3A_255 = arith.muli %add3A_253, %mul3A_254 : i32
      %get3A_256 = arith.constant 0 : i32
      %get3A_257 = arith.index_cast %get3A_256 : i32 to index
      %get3A_258 = arith.index_cast %mul3A_255 : i32 to index
      %get3A_259 = tpu.vector_load %arg4[%get3A_257, %get3A_258] {strides = array<i32>} : memref<2x8192xf32, #tpu.memory_space<vmem>>, vector<1x16xf32>,
      %get3A_260 = vector.shape_cast %get3A_259 : vector<1x16xf32> to vector<16xf32>
      %bitcast_convert_type3A_261 = tpu.bitcast %get3A_260 : vector<16xf32> -> vector<16xi32>
      %and3A_262 = arith.andi %bitcast_convert_type3A_261, %broadcast_in_dim3A_3 : vector<16xi32>
      %max3A_263 = arith.maxsi %max3A_207, %and3A_262 : vector<16xi32>
      %mul3A_264 = arith.constant 16 : i32
      %mul3A_265 = arith.muli %scan3A_150, %mul3A_264 : i32
      %add3A_266 = arith.constant 8 : i32
      %add3A_267 = arith.addi %mul3A_265, %add3A_266 : i32
      %mul3A_268 = arith.constant 16 : i32
      %mul3A_269 = arith.muli %add3A_267, %mul3A_268 : i32
      %get3A_270 = arith.constant 0 : i32
      %get3A_271 = arith.index_cast %get3A_270 : i32 to index
      %get3A_272 = arith.index_cast %mul3A_269 : i32 to index
      %get3A_273 = tpu.vector_load %arg4[%get3A_271, %get3A_272] {strides = array<i32>} : memref<2x8192xf32, #tpu.memory_space<vmem>>, vector<1x16xf32>,
      %get3A_274 = vector.shape_cast %get3A_273 : vector<1x16xf32> to vector<16xf32>
      %bitcast_convert_type3A_275 = tpu.bitcast %get3A_274 : vector<16xf32> -> vector<16xi32>
      %and3A_276 = arith.andi %bitcast_convert_type3A_275, %broadcast_in_dim3A_3 : vector<16xi32>
      %max3A_277 = arith.maxsi %max3A_221, %and3A_276 : vector<16xi32>
      %mul3A_278 = arith.constant 16 : i32
      %mul3A_279 = arith.muli %scan3A_150, %mul3A_278 : i32
      %add3A_280 = arith.constant 9 : i32
      %add3A_281 = arith.addi %mul3A_279, %add3A_280 : i32
      %mul3A_282 = arith.constant 16 : i32
      %mul3A_283 = arith.muli %add3A_281, %mul3A_282 : i32
      %get3A_284 = arith.constant 0 : i32
      %get3A_285 = arith.index_cast %get3A_284 : i32 to index
      %get3A_286 = arith.index_cast %mul3A_283 : i32 to index
      %get3A_287 = tpu.vector_load %arg4[%get3A_285, %get3A_286] {strides = array<i32>} : memref<2x8192xf32, #tpu.memory_space<vmem>>, vector<1x16xf32>,
      %get3A_288 = vector.shape_cast %get3A_287 : vector<1x16xf32> to vector<16xf32>
      %bitcast_convert_type3A_289 = tpu.bitcast %get3A_288 : vector<16xf32> -> vector<16xi32>
      %and3A_290 = arith.andi %bitcast_convert_type3A_289, %broadcast_in_dim3A_3 : vector<16xi32>
      %max3A_291 = arith.maxsi %max3A_235, %and3A_290 : vector<16xi32>
      %mul3A_292 = arith.constant 16 : i32
      %mul3A_293 = arith.muli %scan3A_150, %mul3A_292 : i32
      %add3A_294 = arith.constant 10 : i32
      %add3A_295 = arith.addi %mul3A_293, %add3A_294 : i32
      %mul3A_296 = arith.constant 16 : i32
      %mul3A_297 = arith.muli %add3A_295, %mul3A_296 : i32
      %get3A_298 = arith.constant 0 : i32
      %get3A_299 = arith.index_cast %get3A_298 : i32 to index
      %get3A_300 = arith.index_cast %mul3A_297 : i32 to index
      %get3A_301 = tpu.vector_load %arg4[%get3A_299, %get3A_300] {strides = array<i32>} : memref<2x8192xf32, #tpu.memory_space<vmem>>, vector<1x16xf32>,
      %get3A_302 = vector.shape_cast %get3A_301 : vector<1x16xf32> to vector<16xf32>
      %bitcast_convert_type3A_303 = tpu.bitcast %get3A_302 : vector<16xf32> -> vector<16xi32>
      %and3A_304 = arith.andi %bitcast_convert_type3A_303, %broadcast_in_dim3A_3 : vector<16xi32>
      %max3A_305 = arith.maxsi %max3A_249, %and3A_304 : vector<16xi32>
      %mul3A_306 = arith.constant 16 : i32
      %mul3A_307 = arith.muli %scan3A_150, %mul3A_306 : i32
      %add3A_308 = arith.constant 11 : i32
      %add3A_309 = arith.addi %mul3A_307, %add3A_308 : i32
      %mul3A_310 = arith.constant 16 : i32
      %mul3A_311 = arith.muli %add3A_309, %mul3A_310 : i32
      %get3A_312 = arith.constant 0 : i32
      %get3A_313 = arith.index_cast %get3A_312 : i32 to index
      %get3A_314 = arith.index_cast %mul3A_311 : i32 to index
      %get3A_315 = tpu.vector_load %arg4[%get3A_313, %get3A_314] {strides = array<i32>} : memref<2x8192xf32, #tpu.memory_space<vmem>>, vector<1x16xf32>,
      %get3A_316 = vector.shape_cast %get3A_315 : vector<1x16xf32> to vector<16xf32>
      %bitcast_convert_type3A_317 = tpu.bitcast %get3A_316 : vector<16xf32> -> vector<16xi32>
      %and3A_318 = arith.andi %bitcast_convert_type3A_317, %broadcast_in_dim3A_3 : vector<16xi32>
      %max3A_319 = arith.maxsi %max3A_263, %and3A_318 : vector<16xi32>
      %mul3A_320 = arith.constant 16 : i32
      %mul3A_321 = arith.muli %scan3A_150, %mul3A_320 : i32
      %add3A_322 = arith.constant 12 : i32
      %add3A_323 = arith.addi %mul3A_321, %add3A_322 : i32
      %mul3A_324 = arith.constant 16 : i32
      %mul3A_325 = arith.muli %add3A_323, %mul3A_324 : i32
      %get3A_326 = arith.constant 0 : i32
      %get3A_327 = arith.index_cast %get3A_326 : i32 to index
      %get3A_328 = arith.index_cast %mul3A_325 : i32 to index
      %get3A_329 = tpu.vector_load %arg4[%get3A_327, %get3A_328] {strides = array<i32>} : memref<2x8192xf32, #tpu.memory_space<vmem>>, vector<1x16xf32>,
      %get3A_330 = vector.shape_cast %get3A_329 : vector<1x16xf32> to vector<16xf32>
      %bitcast_convert_type3A_331 = tpu.bitcast %get3A_330 : vector<16xf32> -> vector<16xi32>
      %and3A_332 = arith.andi %bitcast_convert_type3A_331, %broadcast_in_dim3A_3 : vector<16xi32>
      %max3A_333 = arith.maxsi %max3A_277, %and3A_332 : vector<16xi32>
      %mul3A_334 = arith.constant 16 : i32
      %mul3A_335 = arith.muli %scan3A_150, %mul3A_334 : i32
      %add3A_336 = arith.constant 13 : i32
      %add3A_337 = arith.addi %mul3A_335, %add3A_336 : i32
      %mul3A_338 = arith.constant 16 : i32
      %mul3A_339 = arith.muli %add3A_337, %mul3A_338 : i32
      %get3A_340 = arith.constant 0 : i32
      %get3A_341 = arith.index_cast %get3A_340 : i32 to index
      %get3A_342 = arith.index_cast %mul3A_339 : i32 to index
      %get3A_343 = tpu.vector_load %arg4[%get3A_341, %get3A_342] {strides = array<i32>} : memref<2x8192xf32, #tpu.memory_space<vmem>>, vector<1x16xf32>,
      %get3A_344 = vector.shape_cast %get3A_343 : vector<1x16xf32> to vector<16xf32>
      %bitcast_convert_type3A_345 = tpu.bitcast %get3A_344 : vector<16xf32> -> vector<16xi32>
      %and3A_346 = arith.andi %bitcast_convert_type3A_345, %broadcast_in_dim3A_3 : vector<16xi32>
      %max3A_347 = arith.maxsi %max3A_291, %and3A_346 : vector<16xi32>
      %mul3A_348 = arith.constant 16 : i32
      %mul3A_349 = arith.muli %scan3A_150, %mul3A_348 : i32
      %add3A_350 = arith.constant 14 : i32
      %add3A_351 = arith.addi %mul3A_349, %add3A_350 : i32
      %mul3A_352 = arith.constant 16 : i32
      %mul3A_353 = arith.muli %add3A_351, %mul3A_352 : i32
      %get3A_354 = arith.constant 0 : i32
      %get3A_355 = arith.index_cast %get3A_354 : i32 to index
      %get3A_356 = arith.index_cast %mul3A_353 : i32 to index
      %get3A_357 = tpu.vector_load %arg4[%get3A_355, %get3A_356] {strides = array<i32>} : memref<2x8192xf32, #tpu.memory_space<vmem>>, vector<1x16xf32>,
      %get3A_358 = vector.shape_cast %get3A_357 : vector<1x16xf32> to vector<16xf32>
      %bitcast_convert_type3A_359 = tpu.bitcast %get3A_358 : vector<16xf32> -> vector<16xi32>
      %and3A_360 = arith.andi %bitcast_convert_type3A_359, %broadcast_in_dim3A_3 : vector<16xi32>
      %max3A_361 = arith.maxsi %max3A_305, %and3A_360 : vector<16xi32>
      %mul3A_362 = arith.constant 16 : i32
      %mul3A_363 = arith.muli %scan3A_150, %mul3A_362 : i32
      %add3A_364 = arith.constant 15 : i32
      %add3A_365 = arith.addi %mul3A_363, %add3A_364 : i32
      %mul3A_366 = arith.constant 16 : i32
      %mul3A_367 = arith.muli %add3A_365, %mul3A_366 : i32
      %get3A_368 = arith.constant 0 : i32
      %get3A_369 = arith.index_cast %get3A_368 : i32 to index
      %get3A_370 = arith.index_cast %mul3A_367 : i32 to index
      %get3A_371 = tpu.vector_load %arg4[%get3A_369, %get3A_370] {strides = array<i32>} : memref<2x8192xf32, #tpu.memory_space<vmem>>, vector<1x16xf32>,
      %get3A_372 = vector.shape_cast %get3A_371 : vector<1x16xf32> to vector<16xf32>
      %bitcast_convert_type3A_373 = tpu.bitcast %get3A_372 : vector<16xf32> -> vector<16xi32>
      %and3A_374 = arith.andi %bitcast_convert_type3A_373, %broadcast_in_dim3A_3 : vector<16xi32>
      %max3A_375 = arith.maxsi %max3A_319, %and3A_374 : vector<16xi32>
      scf.yield %max3A_333, %max3A_347, %max3A_361, %max3A_375 : vector<16xi32>, vector<16xi32>, vector<16xi32>, vector<16xi32>
    }
    %scan3A_119 = arith.constant 32 : i32
    %dma_wait3A_120 = arith.constant 1 : i32
    %dma_wait3A_121 = arith.constant 0 : i32
    %dma_wait3A_122 = tpu.memref_slice %arg4[%dma_wait3A_120, %dma_wait3A_121] : memref<2x8192xf32, #tpu.memory_space<vmem>> -> memref<1x8192xf32, #tpu.memory_space<vmem>>
    %dma_wait3A_123 = tpu.memref_squeeze %dma_wait3A_122 : memref<1x8192xf32, #tpu.memory_space<vmem>> -> memref<8192xf32, #tpu.memory_space<vmem>>
    %dma_wait3A_124 = arith.constant 0 : i32
    %dma_wait3A_125 = tpu.memref_slice %arg2[%add3A_87, %dma_wait3A_124] : memref<64x8192xf32, #tpu.memory_space<hbm>> -> memref<1x8192xf32, #tpu.memory_space<hbm>>
    %dma_wait3A_126 = tpu.memref_squeeze %dma_wait3A_125 : memref<1x8192xf32, #tpu.memory_space<hbm>> -> memref<8192xf32, #tpu.memory_space<hbm>>
    %dma_wait3A_127 = arith.constant 0 : i32
    %dma_wait3A_128 = tpu.memref_slice %arg4[%dma_wait3A_120, %dma_wait3A_127] : memref<2x8192xf32, #tpu.memory_space<vmem>> -> memref<1x8192xf32, #tpu.memory_space<vmem>>
    %dma_wait3A_129 = tpu.memref_squeeze %dma_wait3A_128 : memref<1x8192xf32, #tpu.memory_space<vmem>> -> memref<8192xf32, #tpu.memory_space<vmem>>
    %dma_wait3A_130 = arith.constant 0 : i32
    %dma_wait3A_131 = tpu.memref_slice %arg2[%add3A_87, %dma_wait3A_130] : memref<64x8192xf32, #tpu.memory_space<hbm>> -> memref<1x8192xf32, #tpu.memory_space<hbm>>
    %dma_wait3A_132 = tpu.memref_squeeze %dma_wait3A_131 : memref<1x8192xf32, #tpu.memory_space<hbm>> -> memref<8192xf32, #tpu.memory_space<hbm>>
    tpu.wait_dma2 semaphore(%arg7 : memref<!tpu.dma_semaphore, #tpu.memory_space<semaphore_mem>>) src(%dma_wait3A_132 : memref<8192xf32, #tpu.memory_space<hbm>>) dst(%dma_wait3A_129 : memref<8192xf32, #tpu.memory_space<vmem>>)
    %scan3A_133 = arith.constant 0 : i32
    %scan3A_134 = arith.constant 32 : i32
    %scan3A_135 = arith.addi %scan3A_133, %scan3A_134 : i32
    %scan3A_136 = arith.constant 1 : i32
    %scan3A_137:4 = scf.for %scan3A_150 = %scan3A_133 to %scan3A_135 step %scan3A_136 iter_args(%scan3A_151 = %scan3A_118#0, %scan3A_152 = %scan3A_118#1, %scan3A_153 = %scan3A_118#2, %scan3A_154 = %scan3A_118#3) -> (vector<16xi32>, vector<16xi32>, vector<16xi32>, vector<16xi32>)  : i32 {
      %mul3A_155 = arith.constant 16 : i32
      %mul3A_156 = arith.muli %scan3A_150, %mul3A_155 : i32
      %add3A_157 = arith.constant 0 : i32
      %add3A_158 = arith.addi %mul3A_156, %add3A_157 : i32
      %mul3A_159 = arith.constant 16 : i32
      %mul3A_160 = arith.muli %add3A_158, %mul3A_159 : i32
      %get3A = arith.constant 1 : i32
      %get3A_161 = arith.index_cast %get3A : i32 to index
      %get3A_162 = arith.index_cast %mul3A_160 : i32 to index
      %get3A_163 = tpu.vector_load %arg4[%get3A_161, %get3A_162] {strides = array<i32>} : memref<2x8192xf32, #tpu.memory_space<vmem>>, vector<1x16xf32>,
      %get3A_164 = vector.shape_cast %get3A_163 : vector<1x16xf32> to vector<16xf32>
      %bitcast_convert_type3A = tpu.bitcast %get3A_164 : vector<16xf32> -> vector<16xi32>
      %and3A = arith.andi %bitcast_convert_type3A, %broadcast_in_dim3A_3 : vector<16xi32>
      %max3A_165 = arith.maxsi %scan3A_151, %and3A : vector<16xi32>
      %mul3A_166 = arith.constant 16 : i32
      %mul3A_167 = arith.muli %scan3A_150, %mul3A_166 : i32
      %add3A_168 = arith.constant 1 : i32
      %add3A_169 = arith.addi %mul3A_167, %add3A_168 : i32
      %mul3A_170 = arith.constant 16 : i32
      %mul3A_171 = arith.muli %add3A_169, %mul3A_170 : i32
      %get3A_172 = arith.constant 1 : i32
      %get3A_173 = arith.index_cast %get3A_172 : i32 to index
      %get3A_174 = arith.index_cast %mul3A_171 : i32 to index
      %get3A_175 = tpu.vector_load %arg4[%get3A_173, %get3A_174] {strides = array<i32>} : memref<2x8192xf32, #tpu.memory_space<vmem>>, vector<1x16xf32>,
      %get3A_176 = vector.shape_cast %get3A_175 : vector<1x16xf32> to vector<16xf32>
      %bitcast_convert_type3A_177 = tpu.bitcast %get3A_176 : vector<16xf32> -> vector<16xi32>
      %and3A_178 = arith.andi %bitcast_convert_type3A_177, %broadcast_in_dim3A_3 : vector<16xi32>
      %max3A_179 = arith.maxsi %scan3A_152, %and3A_178 : vector<16xi32>
      %mul3A_180 = arith.constant 16 : i32
      %mul3A_181 = arith.muli %scan3A_150, %mul3A_180 : i32
      %add3A_182 = arith.constant 2 : i32
      %add3A_183 = arith.addi %mul3A_181, %add3A_182 : i32
      %mul3A_184 = arith.constant 16 : i32
      %mul3A_185 = arith.muli %add3A_183, %mul3A_184 : i32
      %get3A_186 = arith.constant 1 : i32
      %get3A_187 = arith.index_cast %get3A_186 : i32 to index
      %get3A_188 = arith.index_cast %mul3A_185 : i32 to index
      %get3A_189 = tpu.vector_load %arg4[%get3A_187, %get3A_188] {strides = array<i32>} : memref<2x8192xf32, #tpu.memory_space<vmem>>, vector<1x16xf32>,
      %get3A_190 = vector.shape_cast %get3A_189 : vector<1x16xf32> to vector<16xf32>
      %bitcast_convert_type3A_191 = tpu.bitcast %get3A_190 : vector<16xf32> -> vector<16xi32>
      %and3A_192 = arith.andi %bitcast_convert_type3A_191, %broadcast_in_dim3A_3 : vector<16xi32>
      %max3A_193 = arith.maxsi %scan3A_153, %and3A_192 : vector<16xi32>
      %mul3A_194 = arith.constant 16 : i32
      %mul3A_195 = arith.muli %scan3A_150, %mul3A_194 : i32
      %add3A_196 = arith.constant 3 : i32
      %add3A_197 = arith.addi %mul3A_195, %add3A_196 : i32
      %mul3A_198 = arith.constant 16 : i32
      %mul3A_199 = arith.muli %add3A_197, %mul3A_198 : i32
      %get3A_200 = arith.constant 1 : i32
      %get3A_201 = arith.index_cast %get3A_200 : i32 to index
      %get3A_202 = arith.index_cast %mul3A_199 : i32 to index
      %get3A_203 = tpu.vector_load %arg4[%get3A_201, %get3A_202] {strides = array<i32>} : memref<2x8192xf32, #tpu.memory_space<vmem>>, vector<1x16xf32>,
      %get3A_204 = vector.shape_cast %get3A_203 : vector<1x16xf32> to vector<16xf32>
      %bitcast_convert_type3A_205 = tpu.bitcast %get3A_204 : vector<16xf32> -> vector<16xi32>
      %and3A_206 = arith.andi %bitcast_convert_type3A_205, %broadcast_in_dim3A_3 : vector<16xi32>
      %max3A_207 = arith.maxsi %scan3A_154, %and3A_206 : vector<16xi32>
      %mul3A_208 = arith.constant 16 : i32
      %mul3A_209 = arith.muli %scan3A_150, %mul3A_208 : i32
      %add3A_210 = arith.constant 4 : i32
      %add3A_211 = arith.addi %mul3A_209, %add3A_210 : i32
      %mul3A_212 = arith.constant 16 : i32
      %mul3A_213 = arith.muli %add3A_211, %mul3A_212 : i32
      %get3A_214 = arith.constant 1 : i32
      %get3A_215 = arith.index_cast %get3A_214 : i32 to index
      %get3A_216 = arith.index_cast %mul3A_213 : i32 to index
      %get3A_217 = tpu.vector_load %arg4[%get3A_215, %get3A_216] {strides = array<i32>} : memref<2x8192xf32, #tpu.memory_space<vmem>>, vector<1x16xf32>,
      %get3A_218 = vector.shape_cast %get3A_217 : vector<1x16xf32> to vector<16xf32>
      %bitcast_convert_type3A_219 = tpu.bitcast %get3A_218 : vector<16xf32> -> vector<16xi32>
      %and3A_220 = arith.andi %bitcast_convert_type3A_219, %broadcast_in_dim3A_3 : vector<16xi32>
      %max3A_221 = arith.maxsi %max3A_165, %and3A_220 : vector<16xi32>
      %mul3A_222 = arith.constant 16 : i32
      %mul3A_223 = arith.muli %scan3A_150, %mul3A_222 : i32
      %add3A_224 = arith.constant 5 : i32
      %add3A_225 = arith.addi %mul3A_223, %add3A_224 : i32
      %mul3A_226 = arith.constant 16 : i32
      %mul3A_227 = arith.muli %add3A_225, %mul3A_226 : i32
      %get3A_228 = arith.constant 1 : i32
      %get3A_229 = arith.index_cast %get3A_228 : i32 to index
      %get3A_230 = arith.index_cast %mul3A_227 : i32 to index
      %get3A_231 = tpu.vector_load %arg4[%get3A_229, %get3A_230] {strides = array<i32>} : memref<2x8192xf32, #tpu.memory_space<vmem>>, vector<1x16xf32>,
      %get3A_232 = vector.shape_cast %get3A_231 : vector<1x16xf32> to vector<16xf32>
      %bitcast_convert_type3A_233 = tpu.bitcast %get3A_232 : vector<16xf32> -> vector<16xi32>
      %and3A_234 = arith.andi %bitcast_convert_type3A_233, %broadcast_in_dim3A_3 : vector<16xi32>
      %max3A_235 = arith.maxsi %max3A_179, %and3A_234 : vector<16xi32>
      %mul3A_236 = arith.constant 16 : i32
      %mul3A_237 = arith.muli %scan3A_150, %mul3A_236 : i32
      %add3A_238 = arith.constant 6 : i32
      %add3A_239 = arith.addi %mul3A_237, %add3A_238 : i32
      %mul3A_240 = arith.constant 16 : i32
      %mul3A_241 = arith.muli %add3A_239, %mul3A_240 : i32
      %get3A_242 = arith.constant 1 : i32
      %get3A_243 = arith.index_cast %get3A_242 : i32 to index
      %get3A_244 = arith.index_cast %mul3A_241 : i32 to index
      %get3A_245 = tpu.vector_load %arg4[%get3A_243, %get3A_244] {strides = array<i32>} : memref<2x8192xf32, #tpu.memory_space<vmem>>, vector<1x16xf32>,
      %get3A_246 = vector.shape_cast %get3A_245 : vector<1x16xf32> to vector<16xf32>
      %bitcast_convert_type3A_247 = tpu.bitcast %get3A_246 : vector<16xf32> -> vector<16xi32>
      %and3A_248 = arith.andi %bitcast_convert_type3A_247, %broadcast_in_dim3A_3 : vector<16xi32>
      %max3A_249 = arith.maxsi %max3A_193, %and3A_248 : vector<16xi32>
      %mul3A_250 = arith.constant 16 : i32
      %mul3A_251 = arith.muli %scan3A_150, %mul3A_250 : i32
      %add3A_252 = arith.constant 7 : i32
      %add3A_253 = arith.addi %mul3A_251, %add3A_252 : i32
      %mul3A_254 = arith.constant 16 : i32
      %mul3A_255 = arith.muli %add3A_253, %mul3A_254 : i32
      %get3A_256 = arith.constant 1 : i32
      %get3A_257 = arith.index_cast %get3A_256 : i32 to index
      %get3A_258 = arith.index_cast %mul3A_255 : i32 to index
      %get3A_259 = tpu.vector_load %arg4[%get3A_257, %get3A_258] {strides = array<i32>} : memref<2x8192xf32, #tpu.memory_space<vmem>>, vector<1x16xf32>,
      %get3A_260 = vector.shape_cast %get3A_259 : vector<1x16xf32> to vector<16xf32>
      %bitcast_convert_type3A_261 = tpu.bitcast %get3A_260 : vector<16xf32> -> vector<16xi32>
      %and3A_262 = arith.andi %bitcast_convert_type3A_261, %broadcast_in_dim3A_3 : vector<16xi32>
      %max3A_263 = arith.maxsi %max3A_207, %and3A_262 : vector<16xi32>
      %mul3A_264 = arith.constant 16 : i32
      %mul3A_265 = arith.muli %scan3A_150, %mul3A_264 : i32
      %add3A_266 = arith.constant 8 : i32
      %add3A_267 = arith.addi %mul3A_265, %add3A_266 : i32
      %mul3A_268 = arith.constant 16 : i32
      %mul3A_269 = arith.muli %add3A_267, %mul3A_268 : i32
      %get3A_270 = arith.constant 1 : i32
      %get3A_271 = arith.index_cast %get3A_270 : i32 to index
      %get3A_272 = arith.index_cast %mul3A_269 : i32 to index
      %get3A_273 = tpu.vector_load %arg4[%get3A_271, %get3A_272] {strides = array<i32>} : memref<2x8192xf32, #tpu.memory_space<vmem>>, vector<1x16xf32>,
      %get3A_274 = vector.shape_cast %get3A_273 : vector<1x16xf32> to vector<16xf32>
      %bitcast_convert_type3A_275 = tpu.bitcast %get3A_274 : vector<16xf32> -> vector<16xi32>
      %and3A_276 = arith.andi %bitcast_convert_type3A_275, %broadcast_in_dim3A_3 : vector<16xi32>
      %max3A_277 = arith.maxsi %max3A_221, %and3A_276 : vector<16xi32>
      %mul3A_278 = arith.constant 16 : i32
      %mul3A_279 = arith.muli %scan3A_150, %mul3A_278 : i32
      %add3A_280 = arith.constant 9 : i32
      %add3A_281 = arith.addi %mul3A_279, %add3A_280 : i32
      %mul3A_282 = arith.constant 16 : i32
      %mul3A_283 = arith.muli %add3A_281, %mul3A_282 : i32
      %get3A_284 = arith.constant 1 : i32
      %get3A_285 = arith.index_cast %get3A_284 : i32 to index
      %get3A_286 = arith.index_cast %mul3A_283 : i32 to index
      %get3A_287 = tpu.vector_load %arg4[%get3A_285, %get3A_286] {strides = array<i32>} : memref<2x8192xf32, #tpu.memory_space<vmem>>, vector<1x16xf32>,
      %get3A_288 = vector.shape_cast %get3A_287 : vector<1x16xf32> to vector<16xf32>
      %bitcast_convert_type3A_289 = tpu.bitcast %get3A_288 : vector<16xf32> -> vector<16xi32>
      %and3A_290 = arith.andi %bitcast_convert_type3A_289, %broadcast_in_dim3A_3 : vector<16xi32>
      %max3A_291 = arith.maxsi %max3A_235, %and3A_290 : vector<16xi32>
      %mul3A_292 = arith.constant 16 : i32
      %mul3A_293 = arith.muli %scan3A_150, %mul3A_292 : i32
      %add3A_294 = arith.constant 10 : i32
      %add3A_295 = arith.addi %mul3A_293, %add3A_294 : i32
      %mul3A_296 = arith.constant 16 : i32
      %mul3A_297 = arith.muli %add3A_295, %mul3A_296 : i32
      %get3A_298 = arith.constant 1 : i32
      %get3A_299 = arith.index_cast %get3A_298 : i32 to index
      %get3A_300 = arith.index_cast %mul3A_297 : i32 to index
      %get3A_301 = tpu.vector_load %arg4[%get3A_299, %get3A_300] {strides = array<i32>} : memref<2x8192xf32, #tpu.memory_space<vmem>>, vector<1x16xf32>,
      %get3A_302 = vector.shape_cast %get3A_301 : vector<1x16xf32> to vector<16xf32>
      %bitcast_convert_type3A_303 = tpu.bitcast %get3A_302 : vector<16xf32> -> vector<16xi32>
      %and3A_304 = arith.andi %bitcast_convert_type3A_303, %broadcast_in_dim3A_3 : vector<16xi32>
      %max3A_305 = arith.maxsi %max3A_249, %and3A_304 : vector<16xi32>
      %mul3A_306 = arith.constant 16 : i32
      %mul3A_307 = arith.muli %scan3A_150, %mul3A_306 : i32
      %add3A_308 = arith.constant 11 : i32
      %add3A_309 = arith.addi %mul3A_307, %add3A_308 : i32
      %mul3A_310 = arith.constant 16 : i32
      %mul3A_311 = arith.muli %add3A_309, %mul3A_310 : i32
      %get3A_312 = arith.constant 1 : i32
      %get3A_313 = arith.index_cast %get3A_312 : i32 to index
      %get3A_314 = arith.index_cast %mul3A_311 : i32 to index
      %get3A_315 = tpu.vector_load %arg4[%get3A_313, %get3A_314] {strides = array<i32>} : memref<2x8192xf32, #tpu.memory_space<vmem>>, vector<1x16xf32>,
      %get3A_316 = vector.shape_cast %get3A_315 : vector<1x16xf32> to vector<16xf32>
      %bitcast_convert_type3A_317 = tpu.bitcast %get3A_316 : vector<16xf32> -> vector<16xi32>
      %and3A_318 = arith.andi %bitcast_convert_type3A_317, %broadcast_in_dim3A_3 : vector<16xi32>
      %max3A_319 = arith.maxsi %max3A_263, %and3A_318 : vector<16xi32>
      %mul3A_320 = arith.constant 16 : i32
      %mul3A_321 = arith.muli %scan3A_150, %mul3A_320 : i32
      %add3A_322 = arith.constant 12 : i32
      %add3A_323 = arith.addi %mul3A_321, %add3A_322 : i32
      %mul3A_324 = arith.constant 16 : i32
      %mul3A_325 = arith.muli %add3A_323, %mul3A_324 : i32
      %get3A_326 = arith.constant 1 : i32
      %get3A_327 = arith.index_cast %get3A_326 : i32 to index
      %get3A_328 = arith.index_cast %mul3A_325 : i32 to index
      %get3A_329 = tpu.vector_load %arg4[%get3A_327, %get3A_328] {strides = array<i32>} : memref<2x8192xf32, #tpu.memory_space<vmem>>, vector<1x16xf32>,
      %get3A_330 = vector.shape_cast %get3A_329 : vector<1x16xf32> to vector<16xf32>
      %bitcast_convert_type3A_331 = tpu.bitcast %get3A_330 : vector<16xf32> -> vector<16xi32>
      %and3A_332 = arith.andi %bitcast_convert_type3A_331, %broadcast_in_dim3A_3 : vector<16xi32>
      %max3A_333 = arith.maxsi %max3A_277, %and3A_332 : vector<16xi32>
      %mul3A_334 = arith.constant 16 : i32
      %mul3A_335 = arith.muli %scan3A_150, %mul3A_334 : i32
      %add3A_336 = arith.constant 13 : i32
      %add3A_337 = arith.addi %mul3A_335, %add3A_336 : i32
      %mul3A_338 = arith.constant 16 : i32
      %mul3A_339 = arith.muli %add3A_337, %mul3A_338 : i32
      %get3A_340 = arith.constant 1 : i32
      %get3A_341 = arith.index_cast %get3A_340 : i32 to index
      %get3A_342 = arith.index_cast %mul3A_339 : i32 to index
      %get3A_343 = tpu.vector_load %arg4[%get3A_341, %get3A_342] {strides = array<i32>} : memref<2x8192xf32, #tpu.memory_space<vmem>>, vector<1x16xf32>,
      %get3A_344 = vector.shape_cast %get3A_343 : vector<1x16xf32> to vector<16xf32>
      %bitcast_convert_type3A_345 = tpu.bitcast %get3A_344 : vector<16xf32> -> vector<16xi32>
      %and3A_346 = arith.andi %bitcast_convert_type3A_345, %broadcast_in_dim3A_3 : vector<16xi32>
      %max3A_347 = arith.maxsi %max3A_291, %and3A_346 : vector<16xi32>
      %mul3A_348 = arith.constant 16 : i32
      %mul3A_349 = arith.muli %scan3A_150, %mul3A_348 : i32
      %add3A_350 = arith.constant 14 : i32
      %add3A_351 = arith.addi %mul3A_349, %add3A_350 : i32
      %mul3A_352 = arith.constant 16 : i32
      %mul3A_353 = arith.muli %add3A_351, %mul3A_352 : i32
      %get3A_354 = arith.constant 1 : i32
      %get3A_355 = arith.index_cast %get3A_354 : i32 to index
      %get3A_356 = arith.index_cast %mul3A_353 : i32 to index
      %get3A_357 = tpu.vector_load %arg4[%get3A_355, %get3A_356] {strides = array<i32>} : memref<2x8192xf32, #tpu.memory_space<vmem>>, vector<1x16xf32>,
      %get3A_358 = vector.shape_cast %get3A_357 : vector<1x16xf32> to vector<16xf32>
      %bitcast_convert_type3A_359 = tpu.bitcast %get3A_358 : vector<16xf32> -> vector<16xi32>
      %and3A_360 = arith.andi %bitcast_convert_type3A_359, %broadcast_in_dim3A_3 : vector<16xi32>
      %max3A_361 = arith.maxsi %max3A_305, %and3A_360 : vector<16xi32>
      %mul3A_362 = arith.constant 16 : i32
      %mul3A_363 = arith.muli %scan3A_150, %mul3A_362 : i32
      %add3A_364 = arith.constant 15 : i32
      %add3A_365 = arith.addi %mul3A_363, %add3A_364 : i32
      %mul3A_366 = arith.constant 16 : i32
      %mul3A_367 = arith.muli %add3A_365, %mul3A_366 : i32
      %get3A_368 = arith.constant 1 : i32
      %get3A_369 = arith.index_cast %get3A_368 : i32 to index
      %get3A_370 = arith.index_cast %mul3A_367 : i32 to index
      %get3A_371 = tpu.vector_load %arg4[%get3A_369, %get3A_370] {strides = array<i32>} : memref<2x8192xf32, #tpu.memory_space<vmem>>, vector<1x16xf32>,
      %get3A_372 = vector.shape_cast %get3A_371 : vector<1x16xf32> to vector<16xf32>
      %bitcast_convert_type3A_373 = tpu.bitcast %get3A_372 : vector<16xf32> -> vector<16xi32>
      %and3A_374 = arith.andi %bitcast_convert_type3A_373, %broadcast_in_dim3A_3 : vector<16xi32>
      %max3A_375 = arith.maxsi %max3A_319, %and3A_374 : vector<16xi32>
      scf.yield %max3A_333, %max3A_347, %max3A_361, %max3A_375 : vector<16xi32>, vector<16xi32>, vector<16xi32>, vector<16xi32>
    }
    %scan3A_138 = arith.constant 32 : i32
    %max3A = arith.maxsi %scan3A_137#0, %scan3A_137#1 : vector<16xi32>
    %max3A_139 = arith.maxsi %max3A, %scan3A_137#2 : vector<16xi32>
    %max3A_140 = arith.maxsi %max3A_139, %scan3A_137#3 : vector<16xi32>
    %gt3A = arith.constant 2139095040 : i32
    %gt3A_141 = vector.broadcast %gt3A : i32 to vector<16xi32>
    %gt3A_142 = arith.cmpi sgt, %max3A_140, %gt3A_141 : vector<16xi32>
    %broadcast_in_dim3A_143 = arith.constant 1 : i32
    %broadcast_in_dim3A_144 = vector.broadcast %broadcast_in_dim3A_143 : i32 to vector<16xi32>
    %broadcast_in_dim3A_145 = arith.constant 0 : i32
    %broadcast_in_dim3A_146 = vector.broadcast %broadcast_in_dim3A_145 : i32 to vector<16xi32>
    %select_n3A = arith.select %gt3A_142, %broadcast_in_dim3A_144, %broadcast_in_dim3A_146 : vector<16xi1>, vector<16xi32>
    %swap3A = arith.constant 0 : index
    %swap3A_147 = tpu.vector_load %arg5[%swap3A] {strides = array<i32>} : memref<16xi32, #tpu.memory_space<vmem>>, vector<16xi32>,
    %swap3A_148 = vector.shape_cast %swap3A_147 : vector<16xi32> to vector<16xi32>
    %swap3A_149 = vector.shape_cast %select_n3A : vector<16xi32> to vector<16xi32>
    tpu.vector_store %arg5[%swap3A], %swap3A_149 {strides = array<i32>} : memref<16xi32, #tpu.memory_space<vmem>>, vector<16xi32>,
    "tpu.region"() ({
      %run_scoped3A = tpu.sem_alloc : memref<!tpu.dma_semaphore, #tpu.memory_space<semaphore_mem>>
      %dma_start3A_150 = arith.constant 0 : i32
      %dma_start3A_151 = tpu.memref_slice %arg3[%add3A, %dma_start3A_150] : memref<16x16xi32, #tpu.memory_space<hbm>> -> memref<1x16xi32, #tpu.memory_space<hbm>>
      %dma_start3A_152 = tpu.memref_squeeze %dma_start3A_151 : memref<1x16xi32, #tpu.memory_space<hbm>> -> memref<16xi32, #tpu.memory_space<hbm>>
      %dma_start3A_153 = arith.constant 0 : i32
      %dma_start3A_154 = tpu.memref_slice %arg3[%add3A, %dma_start3A_153] : memref<16x16xi32, #tpu.memory_space<hbm>> -> memref<1x16xi32, #tpu.memory_space<hbm>>
      %dma_start3A_155 = tpu.memref_squeeze %dma_start3A_154 : memref<1x16xi32, #tpu.memory_space<hbm>> -> memref<16xi32, #tpu.memory_space<hbm>>
      tpu.enqueue_dma source(%arg5 : memref<16xi32, #tpu.memory_space<vmem>>) target(%dma_start3A_155 : memref<16xi32, #tpu.memory_space<hbm>>) target_semaphore(%run_scoped3A : memref<!tpu.dma_semaphore, #tpu.memory_space<semaphore_mem>>)
      %dma_wait3A_156 = arith.constant 0 : i32
      %dma_wait3A_157 = tpu.memref_slice %arg3[%add3A, %dma_wait3A_156] : memref<16x16xi32, #tpu.memory_space<hbm>> -> memref<1x16xi32, #tpu.memory_space<hbm>>
      %dma_wait3A_158 = tpu.memref_squeeze %dma_wait3A_157 : memref<1x16xi32, #tpu.memory_space<hbm>> -> memref<16xi32, #tpu.memory_space<hbm>>
      %dma_wait3A_159 = arith.constant 0 : i32
      %dma_wait3A_160 = tpu.memref_slice %arg3[%add3A, %dma_wait3A_159] : memref<16x16xi32, #tpu.memory_space<hbm>> -> memref<1x16xi32, #tpu.memory_space<hbm>>
      %dma_wait3A_161 = tpu.memref_squeeze %dma_wait3A_160 : memref<1x16xi32, #tpu.memory_space<hbm>> -> memref<16xi32, #tpu.memory_space<hbm>>
      tpu.wait_dma2 semaphore(%run_scoped3A : memref<!tpu.dma_semaphore, #tpu.memory_space<semaphore_mem>>) src(%arg5 : memref<16xi32, #tpu.memory_space<vmem>>) dst(%dma_wait3A_161 : memref<16xi32, #tpu.memory_space<hbm>>)
      tpu.yield
    }) : () -> ()
    return
  }
}

</mosaic_0001>

<sc_bundles>
// kernel: kernel.3.cloned.1.call-start
scs
__scs_entry_jumppad:
0x0: {  	(pc) =	sbr.rel $0x88, $3  }
0x1: {  	(tag) =	ssettag $0x0;
	lr =	simm.s32 $0x1  }
0x2: {  	[smem:$0x3FA0] =	sst lr;
	_ =	strace $0xD0000000  }
0x3: {  	_ = 	snop  }
0x4: {  	_ = 	snop  }
0x5: {  	_ = 	snop  }
0x6: {  	_ = 	snop  }
0x7: {  	_ = 	snop  }
__scs_overlays_trampoline_lowered:
0x8: {  	[smem:$0x3FAF] =	sst s0  }
0x9: {  	[smem:$0x3FB0] =	sst s1  }
0xa: {  	[smem:$0x3FB1] =	sst s2  }
0xb: {  	[smem:$0x3FB2] =	sst s3  }
0xc: {  	[smem:$0x3FB3] =	sst s4  }
0xd: {  	[smem:$0x3FB4] =	sst s5  }
0xe: {  	[smem:$0x3FB5] =	sst s6  }
0xf: {  	[smem:$0x3FB6] =	sst s7  }
0x10: {  	[smem:$0x3FB7] =	sst s8  }
0x11: {  	[smem:$0x3FB8] =	sst s9;
	s0 =	simm.s32 @!p0 $0x0  }
0x12: {  	s1 =	sld [smem:$0x3F9E];
	s0 =	simm.s32 @p0 $0x1  }
0x13: {  	[smem:$0x3FB9] =	sst s0;
	s0 =	simm.s32 @!p1 $0x0  }
0x14: {  	s2 =	sld [smem:$0x3F9D];
	s0 =	simm.s32 @p1 $0x1  }
0x15: {  	[smem:$0x3FBA] =	sst s0;
	s0 =	simm.s32 @!p2 $0x0  }
0x16: {  	s3 =	sld [smem:$0x3FDB];
	s0 =	simm.s32 @p2 $0x1  }
0x17: {  	s4 =	simm.s32 $0x1BF5;
	[smem:$0x3FBC] =	sst s0  }
0x18: {  	s0 =	sld [smem:$0x3F9F];
	_ =	swait.ge [sflag:s4], $0x0  }
0x19: {  	s7 =	sld [smem:$0x3FA0]  }
0x1a: {  	s8 =	sadd.s32 $0xFFFFE003, lr  }
0x1b: {  	s9 =	sadd.s32 $0xFFFFFEF7, lr;
	s5 =	simm.s32 $0xFFFFFFFF;
	p2 =	slt.u32 s8, $0xFFFFF086  }
0x1c: {  	p1 =	slt.u32 s9, $0xF7A;
	s5 =	simm.s32 @!p2 $0x0  }
0x1d: {  	s5 =	simm.s32 @p1 $0x1;
	p0 =	seq.s32 s7, s2  }
0x1e: {  	s7 =	smul.u32 @!p0 $0xF7A, s2;
	p2 =	seq.s32 @!p0 s5, $0x0  }
0x1f: {  	s9 =	smul.u32 $0xF7A, s1;
	s8 =	simm.s32 @!p0 $0x1BF5;
	p2 =	por !p2, p0  }
0x20: {  	[sflag:s8] =	ssyncset.s32 @!p0 $0xFFFFF086;
	s6 =	sadd.s32 @!p0 s3, s7;
	s7 =	simm.s32 @!p0 $0x108  }
0x21: {  	s3 =	sadd.s32 s3, s9;
	s6 =	sadd.s32 @!p0 $0x88, s6;
	s7 =	simm.s32 @p2 $0x1082  }
0x22: {  	[simem:s7], [sflag:s8] =	dma.local @!p0 [hbm:s6], $0xF7A  }
0x23: {  	s9 =	sor.u32 $0xD0000000, s2;
	s6 =	simm.s32 $0x108;
	_ =	swait.ge @!p0 [sflag:s8], $0x0  }
0x24: {  	s3 =	sadd.s32 $0x88, s3;
	s6 =	simm.s32 @!p1 $0x1082;
	[sflag:s4] =	ssyncset.s32 $0xFFFFF086  }
0x25: {  	[simem:s6], [sflag:s4] =	dma.local [hbm:s3], $0xF7A  }
0x26: {  	[smem:$0x3FA0] =	sst s1;
	(tag) =	ssettag s2;
	_ =	strace s9  }
0x27: {  	s1 =	sld [smem:$0x3FB0]  }
0x28: {  	s2 =	sld [smem:$0x3FB1]  }
0x29: {  	s4 =	sld [smem:$0x3FB3]  }
0x2a: {  	p0 =	seq.s32 s5, $0x0;
	s5 =	sld [smem:$0x3FB4]  }
0x2b: {  	s6 =	sld [smem:$0x3FB5]  }
0x2c: {  	s7 =	sld [smem:$0x3FB6]  }
0x2d: {  	s3 =	simm.s32 $0x108;
	s8 =	sld [smem:$0x3FB7]  }
0x2e: {  	s3 =	simm.s32 @!p0 $0x1082;
	s9 =	sld [smem:$0x3FB8]  }
0x2f: {  	lr =	sadd.s32 s0, s3;
	s0 =	sld [smem:$0x3FAF]  }
0x30: {  	s3 =	sld [smem:$0x3FB2]  }
0x31: {  	[smem:$0x3FBB] =	sst s10  }
0x32: {  	s10 =	sld [smem:$0x3FB9];
	_ =	sdelay $0x3  }
0x33: {  	p0 =	seq.s32 s10, $0x1;
	s10 =	sld [smem:$0x3FBB];
	_ =	sdelay $0x3  }
0x34: {  	[smem:$0x3FBB] =	sst s10  }
0x35: {  	s10 =	sld [smem:$0x3FBA];
	_ =	sdelay $0x3  }
0x36: {  	p1 =	seq.s32 s10, $0x1;
	s10 =	sld [smem:$0x3FBB];
	_ =	sdelay $0x3  }
0x37: {  	[smem:$0x3FBB] =	sst s10  }
0x38: {  	s10 =	sld [smem:$0x3FBC]  }
0x39: {  	_ = 	snop;
	(pc) =	sbr.ind lr, $3  }
0x3a: {  	_ = 	snop  }
0x3b: {  	_ = 	snop  }
0x3c: {  	p2 =	seq.s32 s10, $0x1;
	s10 =	sld [smem:$0x3FBB]  }
0x3d: {  	_ =	shalt  }
0x3e: {  	_ =	shalt  }
0x3f: {  	_ =	shalt  }
0x40: {  	_ =	shalt  }
0x41: {  	_ =	shalt  }
0x42: {  	_ =	shalt  }
0x43: {  	_ =	shalt  }
0x44: {  	_ =	shalt  }
0x45: {  	_ =	shalt  }
0x46: {  	_ =	shalt  }
0x47: {  	_ =	shalt  }
0x48: {  	_ =	shalt  }
0x49: {  	_ =	shalt  }
0x4a: {  	_ =	shalt  }
0x4b: {  	_ =	shalt  }
0x4c: {  	_ =	shalt  }
0x4d: {  	_ =	shalt  }
0x4e: {  	_ =	shalt  }
0x4f: {  	_ =	shalt  }
0x50: {  	_ =	shalt  }
0x51: {  	_ =	shalt  }
0x52: {  	_ =	shalt  }
0x53: {  	_ =	shalt  }
0x54: {  	_ =	shalt  }
0x55: {  	_ =	shalt  }
0x56: {  	_ =	shalt  }
0x57: {  	_ =	shalt  }
0x58: {  	_ =	shalt  }
0x59: {  	_ =	shalt  }
0x5a: {  	_ =	shalt  }
0x5b: {  	_ =	shalt  }
0x5c: {  	_ =	shalt  }
0x5d: {  	_ =	shalt  }
0x5e: {  	_ =	shalt  }
0x5f: {  	_ =	shalt  }
0x60: {  	_ =	shalt  }
0x61: {  	_ =	shalt  }
0x62: {  	_ =	shalt  }
0x63: {  	_ =	shalt  }
0x64: {  	_ =	shalt  }
0x65: {  	_ =	shalt  }
0x66: {  	_ =	shalt  }
0x67: {  	_ =	shalt  }
0x68: {  	_ =	shalt  }
0x69: {  	_ =	shalt  }
0x6a: {  	_ =	shalt  }
0x6b: {  	_ =	shalt  }
0x6c: {  	_ =	shalt  }
0x6d: {  	_ =	shalt  }
0x6e: {  	_ =	shalt  }
0x6f: {  	_ =	shalt  }
0x70: {  	_ =	shalt  }
0x71: {  	_ =	shalt  }
0x72: {  	_ =	shalt  }
0x73: {  	_ =	shalt  }
0x74: {  	_ =	shalt  }
0x75: {  	_ =	shalt  }
0x76: {  	_ =	shalt  }
0x77: {  	_ =	shalt  }
0x78: {  	_ =	shalt  }
0x79: {  	_ =	shalt  }
0x7a: {  	_ =	shalt  }
0x7b: {  	_ =	shalt  }
0x7c: {  	_ =	shalt  }
0x7d: {  	_ =	shalt  }
0x7e: {  	_ =	shalt  }
0x7f: {  	_ =	shalt  }
0x80: {  	_ =	shalt  }
0x81: {  	_ =	shalt  }
0x82: {  	_ =	shalt  }
0x83: {  	_ =	shalt  }
0x84: {  	_ =	shalt  }
0x85: {  	_ =	shalt  }
0x86: {  	_ =	shalt  }
0x87: {  	_ =	shalt  }
.Lfunc_end0:
.L_simem_size_0:
called_computation_lowered:
.L_overlay_start_0:
0x88: {  	s0 =	sld [smem:$0x3FD9]  }
0x89: {  	s1 =	sld [smem:$0x3FFE];
	_ =	sdelay $0x3  }
0x8a: {  	s0 =	sadd.s32 s1, s0  }
0x8b: {  	[smem:$0x3FC7] =	sst s0  }
0x8c: {  	_ = 	snop  }
0x8d: {  	s0 =	sld [smem:$0x3FC9];
	(tm) =	ssettm $0x1  }
0x8e: {  	s16 =	sld [smem:$0x3FFB];
	_ =	sdelay $0x3  }
0x8f: {  	_ =	strace s16  }
0x90: {  	s1 =	sld [smem:$0x3FFC];
	_ =	sdelay $0x3  }
0x91: {  	_ =	strace s1  }
0x92: {  	s1 =	sld [smem:$0x3FFD];
	_ =	sdelay $0x3  }
0x93: {  	_ =	strace s1  }
0x94: {  	_ =	strace $0x8FFFFFFF  }
0x95: {  	s17 =	sld [smem:$0x3FDB];
	_ =	sdelay $0x1  }
0x96: {  	s2 =	simm.s32 $_scs_section_size  }
0x97: {  	s3 =	simm.s32 $_size__tile_overlayer_lowered;
	s4 =	simm.s32 $_tile_overlayer_lowered  }
0x98: {  	s20 =	simm.s32 $0x1BFF;
	s19 =	sshll.u32 s4, $0x1;
	s1 =	sadd.s32 s2, s17  }
0x99: {  	s5 =	simm.s32 $0x0;
	s18 =	sshll.u32 s3, $0x1;
	s3 =	sadd.s32 s19, s1  }
0x9a: {  	[timem:s5], [sflag:s20] =	dma.local [hbm:s3], s18  }
0x9b: {  	_ =	swait.ge [sflag:s20], s18  }
0x9c: {  	s2 =	ssub.s32 $0x0, s18;
	[sflag:s20] =	ssyncset.done $0x0  }
0x9d: {  	[sflag:s20] =	ssyncadd.s32 s2;
	_ =	sdelay $0x1  }
0x9e: {  	s21 =	simm.s32 $0x1B8B  }
0x9f: {  	_ =	swait.ge [sflag:s21], $0x1  }
0xa0: {  	[sflag:s21] =	ssyncset.done $0x0  }
0xa1: {  	s23 =	simm.s32 $0x1B8E;
	s22 =	sld [smem:$0x3FFE];
	[sflag:s21] =	ssyncadd.s32 $0xFFFFFFFF  }
0xa2: {  	s24 =	simm.s32 $execute0_lowered;
	[smem:$0x3FD2] =	sst s23  }
0xa3: {  	s3 =	sshll.u32 s24, $0x1;
	_ =	strace $0x80000046;
	[dreg:$0x1] =	wrdreg $0xFFFFFFFF  }
0xa4: {  	s25 =	simm.s32 $_size_execute0_lowered;
	s1 =	sadd.s32 s1, s3;
	[dreg:$0x0] =	wrdreg $0x0  }
0xa5: {  	s3 =	sshll.u32 s25, $0x1;
	[dreg:$0x2] =	wrdreg s1  }
0xa6: {  	[dreg:$0x3] =	wrdreg s3  }
0xa7: {  	[dreg:$0x4] =	wrdreg $0xC0  }
0xa8: {  	_ =	task [dreg:s5], $0x5FFFF  }
0xa9: {  	[dreg:$0x1] =	wrdreg $0xFFFFFFFF  }
0xaa: {  	[dreg:$0x0] =	wrdreg $0x60  }
0xab: {  	[dreg:$0x2] =	wrdreg s0  }
0xac: {  	[dreg:$0x3] =	wrdreg s22  }
0xad: {  	[dreg:$0x4] =	wrdreg $0x9  }
0xae: {  	_ =	task.clear_ibuf [dreg:s5], $0x5FFFF;
	_ =	strace $0x90000046  }
0xaf: {  	s26 =	simm.s32 $0x9;
	_ =	strace $0x80000048  }
0xb0: {  	_ =	swait.ge [sflag:s26], $0x1  }
0xb1: {  	[sflag:s26] =	ssyncadd.s32 $0xFFFFFFFF  }
0xb2: {  	_ =	strace $0x90000048  }
0xb3: {  	_ =	sfence  }
0xb4: {  	s28 =	sld [smem:$0x0];
	_ =	sdelay $0x1  }
0xb5: {  	s29 =	srdreg.scid  }
0xb6: {  	s30 =	sshll.u32 s29, $0xD;
	s31 =	sshrl.u32 s29, $0x2  }
0xb7: {  	s2 =	sand.u32 $0x4000, s30;
	s1 =	sand.u32 $0x1, s29;
	s0 =	sadd.s32 s31, s28  }
0xb8: {  	s1 =	sor.u32 s2, s1;
	s0 =	sshll.u32 s0, $0x11  }
0xb9: {  	s0 =	sor.u32 s0, s1  }
0xba: {  	s0 =	sadd.s32 $0x8F2B, s0  }
0xbb: {  	[sflag:s0] =	ssyncadd.remote.s32 $0x1  }
0xbc: {  	_ =	sfence.sel $0xFFFF  }
0xbd: {  	[dreg:$0x0] =	wrdreg $0xFFFFFFFF;
	(pc) =	sbr.abs _section_cstart, $3  }
0xbe: {  	[dreg:$0x1] =	wrdreg $0xFFFFFFFF  }
0xbf: {  	_ =	task.clear_ibuf [dreg:s5], $0x2FFFF;
	_ =	strace $0x9FFFFFFF  }
0xc0: {  	(tm) =	ssettm $0x7FFFFFFF  }
0xc1: {  	_ =	shalt  }
tec
execute0_lowered:
.L_overlay_start_1:
0x0: {  	(tag) =	ssettag $0x1  }
0x1: {  	s3 =	rddreg [dreg:$0x0];
	s0 =	stileid.u32  }
0x2: {  	s2 =	rddreg [dreg:$0x1];
	s5 =	sshll.u32 s0, $0x6;
	s6 =	sshll.u32 s0, $0xC  }
0x3: {  	s1 =	rddreg [dreg:$0x2];
	s5 =	sor.u32 s5, s6  }
0x4: {  	s4 =	simm.s32 $0x0;
	s7 =	simm.s32 $0x80;
	s5 =	sand.u32 $0xE040, s5  }
0x5: {  	s8 =	simm.s32 $0x100;
	[smem:$0x7FF] =	sst s4;
	s6 =	sadd.s32 s3, s5  }
0x6: {  	s9 =	simm.s32 $0x0;
	_ =	strace $0x80000047;
	s10 =	sadd.s32 $0x0, s6  }
.LBB2_1:
0x7: {  	[tilespmem:s9], [sflag:$0x1] =	stream.linear.gather [hbm4b:s10+s4], $0x80, $0x38;
	[tilespmem:$0x4080] =	vst v63  }
0x8: {  	s10 =	smov.u32 s7;
	s9 =	smov.u32 s8;
	p0 =	sne.s32 s7, $0x1F80  }
.Ltmp0:
0x9: {  	s7 =	sadd.s32 $0x80, s7;
	(pc) =	sbr.rel @p0 .LBB2_1-.Ltmp0, $2  }
0xa: {  	_ =	sdelay $0x2  }
0xb: {  	s8 =	sadd.s32 $0x100, s8;
	s10 =	sadd.s32 s10, s6  }
0xc: {  	[tilespmem:s9], [sflag:$0x1] =	stream.linear.gather [hbm4b:s10+s4], $0x80, $0x38;
	[tilespmem:$0x4080] =	vst v63  }
0xd: {  	s3 =	sadd.s32 s5, s3  }
0xe: {  	s4 =	simm.s32 $0x0;
	s6 =	simm.s32 $0x80;
	s5 =	sadd.s32 $0x10, s3  }
0xf: {  	s7 =	simm.s32 $0x80;
	s8 =	simm.s32 $0x180;
	s9 =	sadd.s32 $0x0, s5  }
.LBB2_3:
0x10: {  	[tilespmem:s6], [sflag:$0x2] =	stream.linear.gather [hbm4b:s9+s4], $0x80, $0x38;
	[tilespmem:$0x4080] =	vst v63  }
0x11: {  	s9 =	smov.u32 s7;
	s6 =	smov.u32 s8;
	p0 =	sne.s32 s7, $0x1F80  }
.Ltmp1:
0x12: {  	s7 =	sadd.s32 $0x80, s7;
	(pc) =	sbr.rel @p0 .LBB2_3-.Ltmp1, $2  }
0x13: {  	_ =	sdelay $0x2  }
0x14: {  	s8 =	sadd.s32 $0x100, s8;
	s9 =	sadd.s32 s9, s5  }
0x15: {  	[tilespmem:s6], [sflag:$0x2] =	stream.linear.gather [hbm4b:s9+s4], $0x80, $0x38;
	[tilespmem:$0x4080] =	vst v63  }
0x16: {  	s31 =	simm.s32 $0x1  }
0x17: {  	_ =	swait.ge [sflag:s31], $0x2000  }
0x18: {  	[sflag:s31] =	ssyncset.done $0x0  }
0x19: {  	s4 =	simm.s32 $0x0;
	[sflag:s31] =	ssyncadd.s32 $0xFFFFE000  }
0x1a: {  	v0 =	vld [tilespmem:s4+$0x140]  }
0x1b: {  	v2 =	vld [tilespmem:s4+$0x150]  }
0x1c: {  	v3 =	vld [tilespmem:s4+$0x160]  }
0x1d: {  	v1 =	vld [tilespmem:s4+$0x170]  }
0x1e: {  	v8 =	vld [tilespmem:s4+$0x100]  }
0x1f: {  	v7 =	vld [tilespmem:s4+$0x110]  }
0x20: {  	v10 =	vld [tilespmem:s4+$0x120]  }
0x21: {  	v9 =	vld [tilespmem:s4+$0x130]  }
0x22: {  	v12 =	vld [tilespmem:s4+$0x40]  }
0x23: {  	v11 =	vld [tilespmem:s4+$0x50]  }
0x24: {  	v18 =	vld [tilespmem:s4+$0x0]  }
0x25: {  	v15 =	vld [tilespmem:s4+$0x60]  }
0x26: {  	v6 =	vimm.s32 $0x0;
	v14 =	vld [tilespmem:s4+$0x70]  }
0x27: {  	v4 =	vimm.s32 $0x0;
	v5 =	vimm.s32 $0x0;
	v17 =	vld [tilespmem:s4+$0x10];
	v13 =	vand.u32 $0x7FFFFFFF, v0  }
0x28: {  	s5 =	simm.s32 $0x800;
	v16 =	vld [tilespmem:s4+$0x20];
	v0 =	vand.u32 $0x7FFFFFFF, v2;
	v2 =	vand.u32 $0x7FFFFFFF, v3;
	v3 =	vimm.s32 $0x0  }
.LBB2_5:
0x29: {  	p0 =	sne.s32 s5, $0xF800;
	v18 =	vand.u32 $0x7FFFFFFF, v18;
	v19 =	vld [tilespmem:s4+$0x30];
	s4 =	sshra.s32 s5, $0x2;
	v8 =	vand.u32 $0x7FFFFFFF, v8;
	v20 =	vand.u32 $0x7FFFFFFF, v1  }
0x2a: {  	v22 =	vand.u32 $0x7FFFFFFF, v7;
	v23 =	vand.u32 $0x7FFFFFFF, v10;
	v21 =	vld [tilespmem:s4+$0x140];
	vm0 =	vgt.s32 v6, v18  }
0x2b: {  	v24 =	vld [tilespmem:s4+$0x150];
	v1 =	vsel vm0, v6, v18;
	v6 =	vand.u32 $0x7FFFFFFF, v12;
	v18 =	vand.u32 $0x7FFFFFFF, v9  }
0x2c: {  	v11 =	vand.u32 $0x7FFFFFFF, v11;
	v12 =	vand.u32 $0x7FFFFFFF, v15;
	v25 =	vld [tilespmem:s4+$0x160];
	v6 =	vmax.u32 v1, v6  }
0x2d: {  	v14 =	vand.u32 $0x7FFFFFFF, v14;
	v9 =	vand.u32 $0x7FFFFFFF, v17;
	v1 =	vld [tilespmem:s4+$0x170];
	v6 =	vmax.u32 v6, v8  }
0x2e: {  	v15 =	vand.u32 $0x7FFFFFFF, v16;
	v8 =	vld [tilespmem:s4+$0x100];
	v16 =	vand.u32 $0x7FFFFFFF, v19;
	v6 =	vmax.u32 v6, v13  }
0x2f: {  	vm0 =	vgt.s32 v3, v9;
	vm1 =	vgt.s32 v4, v15;
	v7 =	vld [tilespmem:s4+$0x110];
	vm2 =	vgt.s32 v5, v16  }
0x30: {  	v3 =	vsel vm0, v3, v9;
	v4 =	vsel vm1, v4, v15;
	v10 =	vld [tilespmem:s4+$0x120];
	v5 =	vsel vm2, v5, v16  }
0x31: {  	v3 =	vmax.u32 v3, v11;
	v4 =	vmax.u32 v4, v12;
	v9 =	vld [tilespmem:s4+$0x130];
	v5 =	vmax.u32 v5, v14  }
0x32: {  	v3 =	vmax.u32 v3, v22;
	v4 =	vmax.u32 v4, v23;
	v12 =	vld [tilespmem:s4+$0x40];
	v5 =	vmax.u32 v5, v18  }
0x33: {  	v3 =	vmax.u32 v3, v0;
	v4 =	vmax.u32 v4, v2;
	v11 =	vld [tilespmem:s4+$0x50];
	v5 =	vmax.u32 v5, v20  }
.Ltmp2:
0x34: {  	v18 =	vld [tilespmem:s4+$0x0];
	(pc) =	sbr.rel @p0 .LBB2_5-.Ltmp2, $4  }
0x35: {  	v15 =	vld [tilespmem:s4+$0x60]  }
0x36: {  	v14 =	vld [tilespmem:s4+$0x70]  }
0x37: {  	v17 =	vld [tilespmem:s4+$0x10]  }
0x38: {  	s5 =	sadd.s32 $0x800, s5;
	v13 =	vand.u32 $0x7FFFFFFF, v21;
	v0 =	vand.u32 $0x7FFFFFFF, v24;
	v2 =	vand.u32 $0x7FFFFFFF, v25;
	v16 =	vld [tilespmem:s4+$0x20]  }
0x39: {  	v18 =	vand.u32 $0x7FFFFFFF, v18;
	v19 =	vld [tilespmem:s4+$0x30];
	v8 =	vand.u32 $0x7FFFFFFF, v8;
	v20 =	vand.u32 $0x7FFFFFFF, v1  }
0x3a: {  	v7 =	vand.u32 $0x7FFFFFFF, v7;
	v10 =	vand.u32 $0x7FFFFFFF, v10;
	vm0 =	vgt.s32 v6, v18  }
0x3b: {  	v58 =	vand.u32 $0x7FFFFFFF, v12;
	v9 =	vand.u32 $0x7FFFFFFF, v9;
	v1 =	vsel vm0, v6, v18  }
0x3c: {  	v59 =	vand.u32 $0x7FFFFFFF, v11;
	v60 =	vand.u32 $0x7FFFFFFF, v15;
	v1 =	vmax.u32 v1, v58  }
0x3d: {  	v14 =	vand.u32 $0x7FFFFFFF, v14;
	v61 =	vand.u32 $0x7FFFFFFF, v17;
	v1 =	vmax.u32 v1, v8  }
0x3e: {  	v62 =	vand.u32 $0x7FFFFFFF, v16;
	vm15 =	vgt.s32 v3, v61;
	v63 =	vand.u32 $0x7FFFFFFF, v19  }
0x3f: {  	v1 =	vmax.u32 v1, v13;
	vm1 =	vgt.s32 v4, v62;
	vm2 =	vgt.s32 v5, v63  }
0x40: {  	v3 =	vsel vm15, v3, v61;
	v4 =	vsel vm1, v4, v62;
	v5 =	vsel vm2, v5, v63  }
0x41: {  	v3 =	vmax.u32 v3, v59;
	v4 =	vmax.u32 v4, v60;
	v5 =	vmax.u32 v5, v14  }
0x42: {  	s5 =	sadd.s32 $0x20, s3;
	s4 =	simm.s32 $0x0;
	s6 =	simm.s32 $0x80;
	v3 =	vmax.u32 v3, v7;
	v4 =	vmax.u32 v4, v10;
	v5 =	vmax.u32 v5, v9  }
0x43: {  	s7 =	simm.s32 $0x100;
	s8 =	simm.s32 $0x0;
	s9 =	sadd.s32 $0x0, s5;
	v0 =	vmax.u32 v3, v0;
	v2 =	vmax.u32 v4, v2;
	v3 =	vmax.u32 v5, v20  }
.LBB2_7:
0x44: {  	[tilespmem:s8], [sflag:$0x1] =	stream.linear.gather [hbm4b:s9+s4], $0x80, $0x38;
	[tilespmem:$0x4080] =	vst v63  }
0x45: {  	s9 =	smov.u32 s6;
	s8 =	smov.u32 s7;
	p0 =	sne.s32 s6, $0x1F80  }
.Ltmp3:
0x46: {  	s6 =	sadd.s32 $0x80, s6;
	(pc) =	sbr.rel @p0 .LBB2_7-.Ltmp3, $2  }
0x47: {  	_ =	sdelay $0x2  }
0x48: {  	s7 =	sadd.s32 $0x100, s7;
	s9 =	sadd.s32 s9, s5  }
0x49: {  	[tilespmem:s8], [sflag:$0x1] =	stream.linear.gather [hbm4b:s9+s4], $0x80, $0x38;
	[tilespmem:$0x4080] =	vst v63  }
0x4a: {  	s31 =	simm.s32 $0x2  }
0x4b: {  	_ =	swait.ge [sflag:s31], $0x2000  }
0x4c: {  	[sflag:s31] =	ssyncset.done $0x0  }
0x4d: {  	s4 =	simm.s32 $0x0;
	[sflag:s31] =	ssyncadd.s32 $0xFFFFE000  }
0x4e: {  	v4 =	vld [tilespmem:s4+$0x1C0]  }
0x4f: {  	v5 =	vld [tilespmem:s4+$0x1D0]  }
0x50: {  	v19 =	vld [tilespmem:s4+$0x1E0]  }
0x51: {  	v6 =	vld [tilespmem:s4+$0x1F0]  }
0x52: {  	v8 =	vld [tilespmem:s4+$0x180]  }
0x53: {  	v7 =	vld [tilespmem:s4+$0x190]  }
0x54: {  	v10 =	vld [tilespmem:s4+$0x1A0]  }
0x55: {  	v9 =	vld [tilespmem:s4+$0x1B0]  }
0x56: {  	v12 =	vld [tilespmem:s4+$0xC0]  }
0x57: {  	v11 =	vld [tilespmem:s4+$0xD0]  }
0x58: {  	v18 =	vld [tilespmem:s4+$0x80]  }
0x59: {  	v16 =	vld [tilespmem:s4+$0xE0]  }
0x5a: {  	v14 =	vld [tilespmem:s4+$0xF0]  }
0x5b: {  	v17 =	vld [tilespmem:s4+$0x90]  }
0x5c: {  	s5 =	simm.s32 $0x800;
	v15 =	vld [tilespmem:s4+$0xA0];
	v13 =	vand.u32 $0x7FFFFFFF, v4;
	v4 =	vand.u32 $0x7FFFFFFF, v5;
	v5 =	vand.u32 $0x7FFFFFFF, v19  }
.LBB2_9:
0x5d: {  	p0 =	sne.s32 s5, $0xF800;
	v18 =	vand.u32 $0x7FFFFFFF, v18;
	v19 =	vld [tilespmem:s4+$0xB0];
	s4 =	sshra.s32 s5, $0x2;
	v8 =	vand.u32 $0x7FFFFFFF, v8;
	v20 =	vand.u32 $0x7FFFFFFF, v6  }
0x5e: {  	v22 =	vand.u32 $0x7FFFFFFF, v7;
	v23 =	vand.u32 $0x7FFFFFFF, v10;
	v21 =	vld [tilespmem:s4+$0x1C0];
	vm0 =	vgt.s32 v1, v18  }
0x5f: {  	v6 =	vand.u32 $0x7FFFFFFF, v12;
	v24 =	vld [tilespmem:s4+$0x1D0];
	v1 =	vsel vm0, v1, v18;
	v18 =	vand.u32 $0x7FFFFFFF, v9  }
0x60: {  	v11 =	vand.u32 $0x7FFFFFFF, v11;
	v12 =	vand.u32 $0x7FFFFFFF, v16;
	v25 =	vld [tilespmem:s4+$0x1E0];
	v1 =	vmax.u32 v1, v6  }
0x61: {  	v14 =	vand.u32 $0x7FFFFFFF, v14;
	v9 =	vand.u32 $0x7FFFFFFF, v17;
	v6 =	vld [tilespmem:s4+$0x1F0];
	v1 =	vmax.u32 v1, v8  }
0x62: {  	v15 =	vand.u32 $0x7FFFFFFF, v15;
	v8 =	vld [tilespmem:s4+$0x180];
	v16 =	vand.u32 $0x7FFFFFFF, v19;
	v1 =	vmax.u32 v1, v13  }
0x63: {  	vm0 =	vgt.s32 v0, v9;
	vm1 =	vgt.s32 v2, v15;
	v7 =	vld [tilespmem:s4+$0x190];
	vm2 =	vgt.s32 v3, v16  }
0x64: {  	v0 =	vsel vm0, v0, v9;
	v2 =	vsel vm1, v2, v15;
	v10 =	vld [tilespmem:s4+$0x1A0];
	v3 =	vsel vm2, v3, v16  }
0x65: {  	v0 =	vmax.u32 v0, v11;
	v2 =	vmax.u32 v2, v12;
	v9 =	vld [tilespmem:s4+$0x1B0];
	v3 =	vmax.u32 v3, v14  }
0x66: {  	v0 =	vmax.u32 v0, v22;
	v2 =	vmax.u32 v2, v23;
	v12 =	vld [tilespmem:s4+$0xC0];
	v3 =	vmax.u32 v3, v18  }
0x67: {  	v0 =	vmax.u32 v0, v4;
	v2 =	vmax.u32 v2, v5;
	v11 =	vld [tilespmem:s4+$0xD0];
	v3 =	vmax.u32 v3, v20  }
.Ltmp4:
0x68: {  	v18 =	vld [tilespmem:s4+$0x80];
	(pc) =	sbr.rel @p0 .LBB2_9-.Ltmp4, $4  }
0x69: {  	v16 =	vld [tilespmem:s4+$0xE0]  }
0x6a: {  	v14 =	vld [tilespmem:s4+$0xF0]  }
0x6b: {  	v17 =	vld [tilespmem:s4+$0x90]  }
0x6c: {  	s5 =	sadd.s32 $0x800, s5;
	v13 =	vand.u32 $0x7FFFFFFF, v21;
	v4 =	vand.u32 $0x7FFFFFFF, v24;
	v5 =	vand.u32 $0x7FFFFFFF, v25;
	v15 =	vld [tilespmem:s4+$0xA0]  }
0x6d: {  	v18 =	vand.u32 $0x7FFFFFFF, v18;
	v19 =	vld [tilespmem:s4+$0xB0];
	v8 =	vand.u32 $0x7FFFFFFF, v8;
	v6 =	vand.u32 $0x7FFFFFFF, v6  }
0x6e: {  	v7 =	vand.u32 $0x7FFFFFFF, v7;
	v10 =	vand.u32 $0x7FFFFFFF, v10;
	vm0 =	vgt.s32 v1, v18  }
0x6f: {  	v12 =	vand.u32 $0x7FFFFFFF, v12;
	v9 =	vand.u32 $0x7FFFFFFF, v9;
	v1 =	vsel vm0, v1, v18  }
0x70: {  	v11 =	vand.u32 $0x7FFFFFFF, v11;
	v58 =	vand.u32 $0x7FFFFFFF, v16;
	v1 =	vmax.u32 v1, v12  }
0x71: {  	v14 =	vand.u32 $0x7FFFFFFF, v14;
	v59 =	vand.u32 $0x7FFFFFFF, v17;
	v1 =	vmax.u32 v1, v8  }
0x72: {  	v60 =	vand.u32 $0x7FFFFFFF, v15;
	vm15 =	vgt.s32 v0, v59;
	v61 =	vand.u32 $0x7FFFFFFF, v19  }
0x73: {  	v1 =	vmax.u32 v1, v13;
	vm1 =	vgt.s32 v2, v60;
	vm2 =	vgt.s32 v3, v61  }
0x74: {  	v0 =	vsel vm15, v0, v59;
	v2 =	vsel vm1, v2, v60;
	v3 =	vsel vm2, v3, v61  }
0x75: {  	v0 =	vmax.u32 v0, v11;
	v2 =	vmax.u32 v2, v58;
	v3 =	vmax.u32 v3, v14  }
0x76: {  	s4 =	sadd.s32 $0x30, s3;
	s3 =	simm.s32 $0x0;
	s5 =	simm.s32 $0x80;
	v0 =	vmax.u32 v0, v7;
	v62 =	vmax.u32 v2, v10;
	v63 =	vmax.u32 v3, v9  }
0x77: {  	s6 =	simm.s32 $0x80;
	s7 =	simm.s32 $0x180;
	s8 =	sadd.s32 $0x0, s4;
	v2 =	vmax.u32 v0, v4;
	v3 =	vmax.u32 v62, v5;
	v0 =	vmax.u32 v63, v6  }
.LBB2_11:
0x78: {  	[tilespmem:s5], [sflag:$0x2] =	stream.linear.gather [hbm4b:s8+s3], $0x80, $0x38;
	[tilespmem:$0x4080] =	vst v63  }
0x79: {  	s8 =	smov.u32 s6;
	s5 =	smov.u32 s7;
	p0 =	sne.s32 s6, $0x1F80  }
.Ltmp5:
0x7a: {  	s6 =	sadd.s32 $0x80, s6;
	(pc) =	sbr.rel @p0 .LBB2_11-.Ltmp5, $2  }
0x7b: {  	_ =	sdelay $0x2  }
0x7c: {  	s7 =	sadd.s32 $0x100, s7;
	s8 =	sadd.s32 s8, s4  }
0x7d: {  	[tilespmem:s5], [sflag:$0x2] =	stream.linear.gather [hbm4b:s8+s3], $0x80, $0x38;
	[tilespmem:$0x4080] =	vst v63  }
0x7e: {  	s31 =	simm.s32 $0x1  }
0x7f: {  	_ =	swait.ge [sflag:s31], $0x2000  }
0x80: {  	[sflag:s31] =	ssyncset.done $0x0  }
0x81: {  	s3 =	simm.s32 $0x0;
	[sflag:s31] =	ssyncadd.s32 $0xFFFFE000  }
0x82: {  	v5 =	vld [tilespmem:s3+$0x140]  }
0x83: {  	v6 =	vld [tilespmem:s3+$0x150]  }
0x84: {  	v19 =	vld [tilespmem:s3+$0x160]  }
0x85: {  	v4 =	vld [tilespmem:s3+$0x170]  }
0x86: {  	v10 =	vld [tilespmem:s3+$0x100]  }
0x87: {  	v7 =	vld [tilespmem:s3+$0x110]  }
0x88: {  	v8 =	vld [tilespmem:s3+$0x120]  }
0x89: {  	v9 =	vld [tilespmem:s3+$0x130]  }
0x8a: {  	v11 =	vld [tilespmem:s3+$0x40]  }
0x8b: {  	v14 =	vld [tilespmem:s3+$0x50]  }
0x8c: {  	v18 =	vld [tilespmem:s3+$0x0]  }
0x8d: {  	v16 =	vld [tilespmem:s3+$0x60]  }
0x8e: {  	v15 =	vld [tilespmem:s3+$0x70]  }
0x8f: {  	v13 =	vld [tilespmem:s3+$0x10]  }
0x90: {  	s4 =	simm.s32 $0x800;
	v12 =	vld [tilespmem:s3+$0x20];
	v17 =	vand.u32 $0x7FFFFFFF, v5;
	v5 =	vand.u32 $0x7FFFFFFF, v6;
	v6 =	vand.u32 $0x7FFFFFFF, v19  }
.LBB2_13:
0x91: {  	p0 =	sne.s32 s4, $0xF800;
	v18 =	vand.u32 $0x7FFFFFFF, v18;
	v19 =	vld [tilespmem:s3+$0x30];
	s3 =	sshra.s32 s4, $0x2;
	v10 =	vand.u32 $0x7FFFFFFF, v10;
	v20 =	vand.u32 $0x7FFFFFFF, v4  }
0x92: {  	v22 =	vand.u32 $0x7FFFFFFF, v7;
	v23 =	vand.u32 $0x7FFFFFFF, v8;
	v21 =	vld [tilespmem:s3+$0x140];
	vm0 =	vgt.s32 v1, v18  }
0x93: {  	v4 =	vand.u32 $0x7FFFFFFF, v11;
	v24 =	vld [tilespmem:s3+$0x150];
	v1 =	vsel vm0, v1, v18;
	v18 =	vand.u32 $0x7FFFFFFF, v9  }
0x94: {  	v11 =	vand.u32 $0x7FFFFFFF, v14;
	v14 =	vand.u32 $0x7FFFFFFF, v16;
	v25 =	vld [tilespmem:s3+$0x160];
	v1 =	vmax.u32 v1, v4  }
0x95: {  	v9 =	vand.u32 $0x7FFFFFFF, v13;
	v13 =	vand.u32 $0x7FFFFFFF, v15;
	v4 =	vld [tilespmem:s3+$0x170];
	v1 =	vmax.u32 v1, v10  }
0x96: {  	v12 =	vand.u32 $0x7FFFFFFF, v12;
	v10 =	vld [tilespmem:s3+$0x100];
	v15 =	vand.u32 $0x7FFFFFFF, v19;
	v1 =	vmax.u32 v1, v17  }
0x97: {  	vm0 =	vgt.s32 v2, v9;
	vm1 =	vgt.s32 v3, v12;
	v7 =	vld [tilespmem:s3+$0x110];
	vm2 =	vgt.s32 v0, v15  }
0x98: {  	v2 =	vsel vm0, v2, v9;
	v3 =	vsel vm1, v3, v12;
	v8 =	vld [tilespmem:s3+$0x120];
	v0 =	vsel vm2, v0, v15  }
0x99: {  	v2 =	vmax.u32 v2, v11;
	v3 =	vmax.u32 v3, v14;
	v9 =	vld [tilespmem:s3+$0x130];
	v0 =	vmax.u32 v0, v13  }
0x9a: {  	v2 =	vmax.u32 v2, v22;
	v3 =	vmax.u32 v3, v23;
	v11 =	vld [tilespmem:s3+$0x40];
	v0 =	vmax.u32 v0, v18  }
0x9b: {  	v2 =	vmax.u32 v2, v5;
	v3 =	vmax.u32 v3, v6;
	v14 =	vld [tilespmem:s3+$0x50];
	v0 =	vmax.u32 v0, v20  }
.Ltmp6:
0x9c: {  	v18 =	vld [tilespmem:s3+$0x0];
	(pc) =	sbr.rel @p0 .LBB2_13-.Ltmp6, $4  }
0x9d: {  	v16 =	vld [tilespmem:s3+$0x60]  }
0x9e: {  	v15 =	vld [tilespmem:s3+$0x70]  }
0x9f: {  	v13 =	vld [tilespmem:s3+$0x10]  }
0xa0: {  	s4 =	sadd.s32 $0x800, s4;
	v17 =	vand.u32 $0x7FFFFFFF, v21;
	v5 =	vand.u32 $0x7FFFFFFF, v24;
	v6 =	vand.u32 $0x7FFFFFFF, v25;
	v12 =	vld [tilespmem:s3+$0x20]  }
0xa1: {  	s31 =	simm.s32 $0x2  }
0xa2: {  	v19 =	vld [tilespmem:s3+$0x30];
	_ =	swait.ge [sflag:s31], $0x2000  }
0xa3: {  	[sflag:s31] =	ssyncset.done $0x0  }
0xa4: {  	s3 =	simm.s32 $0x0;
	[sflag:s31] =	ssyncadd.s32 $0xFFFFE000  }
0xa5: {  	v20 =	vld [tilespmem:s3+$0x1C0]  }
0xa6: {  	v18 =	vand.u32 $0x7FFFFFFF, v18;
	v21 =	vld [tilespmem:s3+$0x1D0]  }
0xa7: {  	vm0 =	vgt.s32 v1, v18;
	v22 =	vld [tilespmem:s3+$0x1E0]  }
0xa8: {  	v11 =	vand.u32 $0x7FFFFFFF, v11;
	v18 =	vsel vm0, v1, v18;
	v1 =	vld [tilespmem:s3+$0x1F0]  }
0xa9: {  	v23 =	vand.u32 $0x7FFFFFFF, v10;
	v11 =	vmax.u32 v18, v11;
	v10 =	vld [tilespmem:s3+$0x180]  }
0xaa: {  	v7 =	vand.u32 $0x7FFFFFFF, v7;
	v13 =	vand.u32 $0x7FFFFFFF, v13;
	v18 =	vmax.u32 v11, v23;
	v11 =	vld [tilespmem:s3+$0x190]  }
0xab: {  	v9 =	vand.u32 $0x7FFFFFFF, v9;
	v63 =	vand.u32 $0x7FFFFFFF, v12;
	vm14 =	vgt.s32 v2, v13;
	v12 =	vld [tilespmem:s3+$0x1A0]  }
0xac: {  	v19 =	vand.u32 $0x7FFFFFFF, v19;
	vm1 =	vgt.s32 v3, v63;
	v2 =	vsel vm14, v2, v13;
	v13 =	vld [tilespmem:s3+$0x1B0]  }
0xad: {  	v23 =	vsel vm1, v3, v63;
	v3 =	vmax.u32 v18, v17;
	v17 =	vand.u32 $0x7FFFFFFF, v15;
	v15 =	vld [tilespmem:s3+$0xD0]  }
0xae: {  	v4 =	vand.u32 $0x7FFFFFFF, v4;
	v16 =	vand.u32 $0x7FFFFFFF, v16;
	vm15 =	vgt.s32 v0, v19;
	v18 =	vld [tilespmem:s3+$0x80]  }
0xaf: {  	v0 =	vsel vm15, v0, v19;
	v19 =	vand.u32 $0x7FFFFFFF, v14;
	v14 =	vld [tilespmem:s3+$0xC0];
	v16 =	vmax.u32 v23, v16  }
0xb0: {  	v2 =	vmax.u32 v2, v19;
	v0 =	vmax.u32 v0, v17;
	v17 =	vand.u32 $0x7FFFFFFF, v8;
	v8 =	vld [tilespmem:s3+$0xE0]  }
0xb1: {  	v2 =	vmax.u32 v2, v7;
	v16 =	vmax.u32 v16, v17;
	v0 =	vmax.u32 v0, v9;
	v9 =	vld [tilespmem:s3+$0xF0]  }
0xb2: {  	v17 =	vld [tilespmem:s3+$0x90];
	v7 =	vmax.u32 v2, v5;
	v5 =	vmax.u32 v16, v6;
	v4 =	vmax.u32 v0, v4  }
0xb3: {  	s4 =	simm.s32 $0x800;
	v16 =	vld [tilespmem:s3+$0xA0];
	v6 =	vand.u32 $0x7FFFFFFF, v20;
	v2 =	vand.u32 $0x7FFFFFFF, v21;
	v0 =	vand.u32 $0x7FFFFFFF, v22  }
.LBB2_15:
0xb4: {  	p0 =	sne.s32 s4, $0xF800;
	v18 =	vand.u32 $0x7FFFFFFF, v18;
	v19 =	vld [tilespmem:s3+$0xB0];
	s3 =	sshra.s32 s4, $0x2;
	v10 =	vand.u32 $0x7FFFFFFF, v10;
	v20 =	vand.u32 $0x7FFFFFFF, v1  }
0xb5: {  	v22 =	vand.u32 $0x7FFFFFFF, v11;
	v23 =	vand.u32 $0x7FFFFFFF, v12;
	v21 =	vld [tilespmem:s3+$0x1C0];
	vm0 =	vgt.s32 v3, v18  }
0xb6: {  	v24 =	vld [tilespmem:s3+$0x1D0];
	v1 =	vsel vm0, v3, v18;
	v3 =	vand.u32 $0x7FFFFFFF, v14;
	v18 =	vand.u32 $0x7FFFFFFF, v13  }
0xb7: {  	v8 =	vand.u32 $0x7FFFFFFF, v8;
	v14 =	vand.u32 $0x7FFFFFFF, v15;
	v25 =	vld [tilespmem:s3+$0x1E0];
	v3 =	vmax.u32 v1, v3  }
0xb8: {  	v9 =	vand.u32 $0x7FFFFFFF, v9;
	v13 =	vand.u32 $0x7FFFFFFF, v17;
	v1 =	vld [tilespmem:s3+$0x1F0];
	v3 =	vmax.u32 v3, v10  }
0xb9: {  	v15 =	vand.u32 $0x7FFFFFFF, v16;
	v10 =	vld [tilespmem:s3+$0x180];
	v16 =	vand.u32 $0x7FFFFFFF, v19;
	v3 =	vmax.u32 v3, v6  }
0xba: {  	vm0 =	vgt.s32 v7, v13;
	vm1 =	vgt.s32 v5, v15;
	v11 =	vld [tilespmem:s3+$0x190];
	vm2 =	vgt.s32 v4, v16  }
0xbb: {  	v6 =	vsel vm0, v7, v13;
	v5 =	vsel vm1, v5, v15;
	v12 =	vld [tilespmem:s3+$0x1A0];
	v4 =	vsel vm2, v4, v16  }
0xbc: {  	v6 =	vmax.u32 v6, v14;
	v5 =	vmax.u32 v5, v8;
	v13 =	vld [tilespmem:s3+$0x1B0];
	v4 =	vmax.u32 v4, v9  }
0xbd: {  	v6 =	vmax.u32 v6, v22;
	v5 =	vmax.u32 v5, v23;
	v14 =	vld [tilespmem:s3+$0xC0];
	v4 =	vmax.u32 v4, v18  }
0xbe: {  	v7 =	vmax.u32 v6, v2;
	v5 =	vmax.u32 v5, v0;
	v15 =	vld [tilespmem:s3+$0xD0];
	v4 =	vmax.u32 v4, v20  }
.Ltmp7:
0xbf: {  	v18 =	vld [tilespmem:s3+$0x80];
	(pc) =	sbr.rel @p0 .LBB2_15-.Ltmp7, $4  }
0xc0: {  	v8 =	vld [tilespmem:s3+$0xE0]  }
0xc1: {  	v9 =	vld [tilespmem:s3+$0xF0]  }
0xc2: {  	v17 =	vld [tilespmem:s3+$0x90]  }
0xc3: {  	s4 =	sadd.s32 $0x800, s4;
	v6 =	vand.u32 $0x7FFFFFFF, v21;
	v2 =	vand.u32 $0x7FFFFFFF, v24;
	v0 =	vand.u32 $0x7FFFFFFF, v25;
	v16 =	vld [tilespmem:s3+$0xA0]  }
0xc4: {  	v18 =	vand.u32 $0x7FFFFFFF, v18;
	v19 =	vld [tilespmem:s3+$0xB0];
	v10 =	vand.u32 $0x7FFFFFFF, v10;
	v1 =	vand.u32 $0x7FFFFFFF, v1  }
0xc5: {  	v11 =	vand.u32 $0x7FFFFFFF, v11;
	v12 =	vand.u32 $0x7FFFFFFF, v12;
	vm0 =	vgt.s32 v3, v18  }
0xc6: {  	v14 =	vand.u32 $0x7FFFFFFF, v14;
	v13 =	vand.u32 $0x7FFFFFFF, v13;
	v3 =	vsel vm0, v3, v18  }
0xc7: {  	v58 =	vand.u32 $0x7FFFFFFF, v15;
	v8 =	vand.u32 $0x7FFFFFFF, v8;
	v3 =	vmax.u32 v3, v14  }
0xc8: {  	v9 =	vand.u32 $0x7FFFFFFF, v9;
	v59 =	vand.u32 $0x7FFFFFFF, v17;
	v3 =	vmax.u32 v3, v10  }
0xc9: {  	v60 =	vand.u32 $0x7FFFFFFF, v16;
	vm13 =	vgt.s32 v7, v59;
	v61 =	vand.u32 $0x7FFFFFFF, v19  }
0xca: {  	v3 =	vmax.u32 v3, v6;
	vm1 =	vgt.s32 v5, v60;
	v62 =	vsel vm13, v7, v59  }
0xcb: {  	vm14 =	vgt.s32 v4, v61;
	v5 =	vsel vm1, v5, v60;
	v6 =	vmax.u32 v62, v58  }
0xcc: {  	v4 =	vsel vm14, v4, v61;
	v5 =	vmax.u32 v5, v8;
	v6 =	vmax.u32 v6, v11  }
0xcd: {  	v4 =	vmax.u32 v4, v9;
	v5 =	vmax.u32 v5, v12;
	v2 =	vmax.u32 v6, v2  }
0xce: {  	v4 =	vmax.u32 v4, v13;
	v0 =	vmax.u32 v5, v0;
	v2 =	vmax.u32 v3, v2  }
0xcf: {  	v1 =	vmax.u32 v4, v1;
	v0 =	vmax.u32 v2, v0  }
0xd0: {  	v0 =	vmax.u32 v0, v1  }
0xd1: {  	v63 =	vimm.s32 $0x0;
	vm15 =	vgt.u32 v0, $0x7F800000  }
0xd2: {  	s29 =	sshll.u32 s0, $0x4;
	s30 =	simm.s32 $0x0;
	v0 =	vsel vm15, $0x1, v63  }
0xd3: {  	s4 =	simm.s32 $0x4000;
	s31 =	simm.s32 $0x3;
	s2 =	sadd.s32 s2, s29;
	[tilespmem:$0x4000] =	vst v0  }
0xd4: {  	[hbm4b:s2+s30] =	stream.linear.scatter [tilespmem:s4], [sflag:$0x3], $0x80, $0x38;
	[tilespmem:$0x4080] =	vst v63  }
0xd5: {  	_ =	swait.ge [sflag:s31], $0x80  }
0xd6: {  	[sflag:s31] =	ssyncset.done $0x0  }
0xd7: {  	[sflag:s31] =	ssyncadd.s32 $0xFFFFFF80  }
0xd8: {  	_ =	sfence.sel $0x180000  }
0xd9: {  	[bflag:$0x0] =	sbarrier.arrive $0xFFFF  }
0xda: {  	p0 =	sne.s32 s0, $0x0;
	_ =	strace $0x90000047  }
0xdb: {  	s0 =	sadd.s32 @!p0 $0x100000, s1;
	[bflag:$0x2] =	sbarrier.arrive $0xFFFF  }
0xdc: {  	[sflag:s0] =	ssyncadd.tile.s32 @!p0 $0x1;
	_ =	shalt  }
.Lfunc_end2:
_tile_overlayer_lowered:
.L_overlay_start_2:
0xdd: {  	(tag) =	ssettag $0x2  }
0xde: {  	s0 =	rddreg [dreg:$0x0];
	s2 =	stileid.u32  }
0xdf: {  	s1 =	rddreg [dreg:$0x1];
	p0 =	sne.s32 s2, $0x0  }
0xe0: {  	s3 =	rddreg [dreg:$0x2];
	[bflag:$0x3] =	sbarrier.arrive $0xFFFF;
	s2 =	simm.s32 @!p0 $0x1C03  }
0xe1: {  	[timem:s3], [sflag:s2] =	dma.local @!p0 [hbm:s0], s1  }
0xe2: {  	s0 =	simm.s32 @!p0 $0x3  }
0xe3: {  	_ =	swait.ge @!p0 [sflag:s0], s1  }
0xe4: {  	s1 =	ssub.s32 @!p0 $0x0, s1;
	[sflag:s0] =	ssyncset.done @!p0 $0x0  }
0xe5: {  	[sflag:s0] =	ssyncadd.s32 @!p0 s1  }
0xe6: {  	[bflag:$0x3] =	sbarrier.arrive $0xFFFF  }
0xe7: {  	_ =	shalt  }

</sc_bundles>
